<compile_context>
chip_gen: v7x
topology: tpu7x:2x2x1
jax: 0.10.2.dev20260603
libtpu: 0.0.44.dev20260713+nightly
codegen_flags: <defaults>
</compile_context>

<pallas_src>
import functools

import jax
import jax.numpy as jnp
from jax import lax
from jax.experimental import pallas as pl
from jax.experimental.pallas import tpu as pltpu
from jax.experimental.pallas import tpu_sc as plsc

NUM_ROWS = 16384
NUM_CLASSES = 1000
LANES = 16
TILE_W = 128
GROUPS = TILE_W // LANES

_info = plsc.get_sparse_core_info()
NC, NS = _info.num_cores, _info.num_subcores
NW = NC * NS

SC_SAMPLES = 4096
TC_SAMPLES = NUM_ROWS - SC_SAMPLES
SC_BASE = TC_SAMPLES
SPW = SC_SAMPLES // NW
TCPW = SPW // TILE_W
CT_PER_CHUNK = 25
CLS_PER_CHUNK = CT_PER_CHUNK * 8
PARTS = NUM_CLASSES // CLS_PER_CHUNK
NCHUNK = TCPW * PARTS
assert NCHUNK % 2 == 1


def _make_sc_kernel():
    mesh = plsc.VectorSubcoreMesh(core_axis_name="c", subcore_axis_name="s")

    @functools.partial(
        pl.kernel,
        mesh=mesh,
        out_type=jax.ShapeDtypeStruct((SC_SAMPLES,), jnp.float32),
        compiler_params=pltpu.CompilerParams(
            needs_layout_passes=False, use_tc_tiling_on_sc=True,
            skip_device_barrier=True),
        scratch_types=[
            pltpu.VMEM((CLS_PER_CHUNK, TILE_W), jnp.float32),
            pltpu.VMEM((CLS_PER_CHUNK, TILE_W), jnp.float32),
            pltpu.VMEM((SPW,), jnp.float32),
            pltpu.SemaphoreType.DMA,
            pltpu.SemaphoreType.DMA,
        ],
    )
    def body(xt_hbm, out_hbm, buf_a, buf_b, out_v, sem_a, sem_b):
        wid = lax.axis_index("s") * NC + lax.axis_index("c")
        col_base = SC_BASE + wid * SPW

        zeros = jnp.zeros((LANES,), jnp.float32)
        for i in range(SPW // LANES):
            out_v[pl.ds(i * LANES, LANES)] = zeros

        def chunk_src(c, buf, sem):
            src = xt_hbm.at[
                pl.ds((c % PARTS) * CLS_PER_CHUNK, CLS_PER_CHUNK),
                pl.ds(col_base + (c // PARTS) * TILE_W, TILE_W),
            ]
            return pltpu.make_async_copy(src, buf, sem)

        def compute(buf, c):
            col0 = (c // PARTS) * TILE_W
            cls0 = (c % PARTS) * CLS_PER_CHUNK

            def t_body(t, accs):
                out = list(accs)
                for s in range(2):
                    w = (cls0 + 2 * t + s).astype(jnp.float32)
                    for g in range(GROUPS):
                        x = buf[2 * t + s, pl.ds(g * LANES, LANES)]
                        out[g] = out[g] + x * w
                return tuple(out)

            accs = tuple(
                out_v[pl.ds(col0 + g * LANES, LANES)] for g in range(GROUPS))
            accs = lax.fori_loop(0, CLS_PER_CHUNK // 2, t_body, accs)
            for g in range(GROUPS):
                out_v[pl.ds(col0 + g * LANES, LANES)] = accs[g]

        chunk_src(0, buf_a, sem_a).start()

        def loop_body(i, _):
            c0 = 2 * i
            c1 = 2 * i + 1
            chunk_src(c1, buf_b, sem_b).start()
            chunk_src(c0, buf_a, sem_a).wait()
            compute(buf_a, c0)
            chunk_src(jnp.minimum(c1 + 1, NCHUNK - 1), buf_a, sem_a).start()
            chunk_src(c1, buf_b, sem_b).wait()
            compute(buf_b, c1)
            return 0

        lax.fori_loop(0, NCHUNK // 2, loop_body, 0)
        chunk_src(NCHUNK - 1, buf_a, sem_a).wait()
        compute(buf_a, NCHUNK - 1)

        pltpu.sync_copy(out_v, out_hbm.at[pl.ds(wid * SPW, SPW)])

    return body


TC_SB = 2048
TC_GRID = (TC_SAMPLES // TC_SB,)


def _tc_body(x_ref, o_ref):
    w = lax.broadcasted_iota(
        jnp.int32, (NUM_CLASSES, 1), 0).astype(jnp.float32)
    o_ref[...] = jnp.sum(x_ref[...] * w, axis=0)


_tc_kernel = pl.pallas_call(
    _tc_body,
    grid=TC_GRID,
    in_specs=[pl.BlockSpec((NUM_CLASSES, TC_SB), lambda i: (0, i))],
    out_specs=pl.BlockSpec((TC_SB,), lambda i: (i,)),
    out_shape=jax.ShapeDtypeStruct((TC_SAMPLES,), jnp.float32),
    compiler_params=pltpu.CompilerParams(
        dimension_semantics=("parallel",), skip_device_barrier=True),
)

_sc_kernel = _make_sc_kernel()


def kernel(onehot):
    xt = onehot.T
    sc_out = _sc_kernel(xt)
    tc_out = _tc_kernel(xt)
    return jnp.concatenate([tc_out, sc_out]).astype(jnp.int32)

# --- scband reference (transcript-rebuilt; emitter-appended) ---
"""Pipeline reference for scband-one-hot-to-indices-58746562674718 (READ-ONLY COPY).

The authoritative reference and input builder live on the scoring server;
editing this copy changes nothing except your own understanding.
"""

import jax, jax.numpy as jnp
import numpy as np

NUM_ROWS = 16384
NUM_CLASSES = 1000

def setup_inputs(seed: int = 0) -> dict:
    key = jax.random.key(seed)
    idx = jax.random.randint(key, (NUM_ROWS,), 0, NUM_CLASSES)
    onehot = jax.nn.one_hot(idx, NUM_CLASSES, dtype=jnp.float32)
    return {"onehot": onehot}

def reference(onehot):
    # onehot_to_indices: convert one-hot rows back to integer class indices.
    # Faithful implementation: argmax along the last (class) dimension.
    return jnp.argmax(onehot, axis=-1)

if __name__ == "__main__":
    import jax
    _d = setup_inputs()
    print(jax.jit(kernel)(*tuple(_d.values())))

</pallas_src>

<mosaic_0001>
#map = affine_map<(d0, d1) -> (0, 0)>
#map1 = affine_map<(d0, d1) -> (0)>
module attributes {stable_mosaic.version = 14 : i64} {
  func.func @body(%arg0: i32, %arg1: i32, %arg2: memref<1000x16384xf32, #tpu.memory_space<hbm>>, %arg3: memref<4096xf32, #tpu.memory_space<hbm>>, %arg4: memref<200x128xf32, #tpu.memory_space<vmem>>, %arg5: memref<200x128xf32, #tpu.memory_space<vmem>>, %arg6: memref<128xf32, #tpu.memory_space<vmem>>, %arg7: memref<!tpu.dma_semaphore, #tpu.memory_space<semaphore_mem>>, %arg8: memref<!tpu.dma_semaphore, #tpu.memory_space<semaphore_mem>>) attributes {dimension_semantics = [#tpu.dimension_semantics<core_parallel>, #tpu.dimension_semantics<subcore_parallel>], iteration_bounds = array<i64: 2, 16>, scalar_prefetch = 0 : i64, scratch_operands = 5 : i64, tpu.core_type = #tpu.core_type<sc_vector_subcore>, window_params = [{transform_indices = #map}, {transform_indices = #map1}]} {
    %mul3A = arith.constant 2 : i32
    %mul3A_0 = arith.muli %arg1, %mul3A : i32
    %add3A = arith.addi %mul3A_0, %arg0 : i32
    %mul3A_1 = arith.constant 128 : i32
    %mul3A_2 = arith.muli %add3A, %mul3A_1 : i32
    %add3A_3 = arith.constant 12288 : i32
    %add3A_4 = arith.addi %add3A_3, %mul3A_2 : i32
    %broadcast_in_dim3A = arith.constant 0.000000e+00 : f32
    %broadcast_in_dim3A_5 = vector.broadcast %broadcast_in_dim3A : f32 to vector<16xf32>
    %swap3A = arith.constant 0 : index
    %swap3A_6 = tpu.vector_load %arg6[%swap3A] {strides = array<i32>} : memref<128xf32, #tpu.memory_space<vmem>>, vector<16xf32>,
    tpu.vector_store %arg6[%swap3A], %broadcast_in_dim3A_5 {strides = array<i32>} : memref<128xf32, #tpu.memory_space<vmem>>, vector<16xf32>,
    %swap3A_7 = arith.constant 16 : index
    %swap3A_8 = tpu.vector_load %arg6[%swap3A_7] {strides = array<i32>} : memref<128xf32, #tpu.memory_space<vmem>>, vector<16xf32>,
    tpu.vector_store %arg6[%swap3A_7], %broadcast_in_dim3A_5 {strides = array<i32>} : memref<128xf32, #tpu.memory_space<vmem>>, vector<16xf32>,
    %swap3A_9 = arith.constant 32 : index
    %swap3A_10 = tpu.vector_load %arg6[%swap3A_9] {strides = array<i32>} : memref<128xf32, #tpu.memory_space<vmem>>, vector<16xf32>,
    tpu.vector_store %arg6[%swap3A_9], %broadcast_in_dim3A_5 {strides = array<i32>} : memref<128xf32, #tpu.memory_space<vmem>>, vector<16xf32>,
    %swap3A_11 = arith.constant 48 : index
    %swap3A_12 = tpu.vector_load %arg6[%swap3A_11] {strides = array<i32>} : memref<128xf32, #tpu.memory_space<vmem>>, vector<16xf32>,
    tpu.vector_store %arg6[%swap3A_11], %broadcast_in_dim3A_5 {strides = array<i32>} : memref<128xf32, #tpu.memory_space<vmem>>, vector<16xf32>,
    %swap3A_13 = arith.constant 64 : index
    %swap3A_14 = tpu.vector_load %arg6[%swap3A_13] {strides = array<i32>} : memref<128xf32, #tpu.memory_space<vmem>>, vector<16xf32>,
    tpu.vector_store %arg6[%swap3A_13], %broadcast_in_dim3A_5 {strides = array<i32>} : memref<128xf32, #tpu.memory_space<vmem>>, vector<16xf32>,
    %swap3A_15 = arith.constant 80 : index
    %swap3A_16 = tpu.vector_load %arg6[%swap3A_15] {strides = array<i32>} : memref<128xf32, #tpu.memory_space<vmem>>, vector<16xf32>,
    tpu.vector_store %arg6[%swap3A_15], %broadcast_in_dim3A_5 {strides = array<i32>} : memref<128xf32, #tpu.memory_space<vmem>>, vector<16xf32>,
    %swap3A_17 = arith.constant 96 : index
    %swap3A_18 = tpu.vector_load %arg6[%swap3A_17] {strides = array<i32>} : memref<128xf32, #tpu.memory_space<vmem>>, vector<16xf32>,
    tpu.vector_store %arg6[%swap3A_17], %broadcast_in_dim3A_5 {strides = array<i32>} : memref<128xf32, #tpu.memory_space<vmem>>, vector<16xf32>,
    %swap3A_19 = arith.constant 112 : index
    %swap3A_20 = tpu.vector_load %arg6[%swap3A_19] {strides = array<i32>} : memref<128xf32, #tpu.memory_space<vmem>>, vector<16xf32>,
    tpu.vector_store %arg6[%swap3A_19], %broadcast_in_dim3A_5 {strides = array<i32>} : memref<128xf32, #tpu.memory_space<vmem>>, vector<16xf32>,
    %add3A_21 = arith.constant 0 : i32
    %add3A_22 = arith.addi %add3A_4, %add3A_21 : i32
    %dma_start3A = arith.constant 0 : i32
    %dma_start3A_23 = tpu.memref_slice %arg2[%dma_start3A, %add3A_22] : memref<1000x16384xf32, #tpu.memory_space<hbm>> -> memref<200x128xf32, #tpu.memory_space<hbm>>
    %dma_start3A_24 = arith.constant 0 : i32
    %dma_start3A_25 = tpu.memref_slice %arg2[%dma_start3A_24, %add3A_22] : memref<1000x16384xf32, #tpu.memory_space<hbm>> -> memref<200x128xf32, #tpu.memory_space<hbm>>
    tpu.enqueue_dma source(%dma_start3A_25 : memref<200x128xf32, #tpu.memory_space<hbm>>) target(%arg4 : memref<200x128xf32, #tpu.memory_space<vmem>>) target_semaphore(%arg7 : memref<!tpu.dma_semaphore, #tpu.memory_space<semaphore_mem>>)
    %scan3A = arith.constant 0 : i32
    %scan3A_26 = arith.constant 0 : i32
    %scan3A_27 = arith.constant 2 : i32
    %scan3A_28 = arith.addi %scan3A_26, %scan3A_27 : i32
    %scan3A_29 = arith.constant 1 : i32
    %scan3A_30 = scf.for %scan3A_76 = %scan3A_26 to %scan3A_28 step %scan3A_29 iter_args(%scan3A_77 = %scan3A) -> (i32)  : i32 {
      %mul3A_78 = arith.constant 2 : i32
      %mul3A_79 = arith.muli %mul3A_78, %scan3A_76 : i32
      %mul3A_80 = arith.constant 2 : i32
      %mul3A_81 = arith.muli %mul3A_80, %scan3A_76 : i32
      %add3A_82 = arith.constant 1 : i32
      %add3A_83 = arith.addi %mul3A_81, %add3A_82 : i32
      %jit3A = arith.constant 5 : i32
      %eq3A = arith.constant 0 : i32
      %eq3A_84 = arith.cmpi eq, %jit3A, %eq3A : i32
      %jit3A_85 = arith.constant 1 : i32
      %select_n3A = arith.select %eq3A_84, %jit3A_85, %jit3A : i32
      %rem3A = arith.remsi %add3A_83, %select_n3A : i32
      %ne3A = arith.constant 0 : i32
      %ne3A_86 = arith.cmpi ne, %rem3A, %ne3A : i32
      %lt3A = arith.constant 0 : i32
      %lt3A_87 = arith.cmpi slt, %rem3A, %lt3A : i32
      %lt3A_88 = arith.constant 0 : i32
      %lt3A_89 = arith.cmpi slt, %select_n3A, %lt3A_88 : i32
      %ne3A_90 = arith.xori %lt3A_87, %lt3A_89 : i1
      %and3A = arith.andi %ne3A_90, %ne3A_86 : i1
      %add3A_91 = arith.addi %rem3A, %select_n3A : i32
      %select_n3A_92 = arith.select %and3A, %add3A_91, %rem3A : i32
      %mul3A_93 = arith.constant 200 : i32
      %mul3A_94 = arith.muli %select_n3A_92, %mul3A_93 : i32
      %jit3A_95 = arith.constant 5 : i32
      %div3A = arith.divsi %add3A_83, %jit3A_95 : i32
      %sign3A = arith.constant 0 : i32
      %sign3A_96 = arith.cmpi sgt, %add3A_83, %sign3A : i32
      %sign3A_97 = arith.extui %sign3A_96 : i1 to i32
      %sign3A_98 = arith.constant 0 : i32
      %sign3A_99 = arith.cmpi slt, %add3A_83, %sign3A_98 : i32
      %sign3A_100 = arith.extui %sign3A_99 : i1 to i32
      %sign3A_101 = arith.subi %sign3A_97, %sign3A_100 : i32
      %sign3A_102 = arith.constant 0 : i32
      %sign3A_103 = arith.cmpi sgt, %jit3A_95, %sign3A_102 : i32
      %sign3A_104 = arith.extui %sign3A_103 : i1 to i32
      %sign3A_105 = arith.constant 0 : i32
      %sign3A_106 = arith.cmpi slt, %jit3A_95, %sign3A_105 : i32
      %sign3A_107 = arith.extui %sign3A_106 : i1 to i32
      %sign3A_108 = arith.subi %sign3A_104, %sign3A_107 : i32
      %ne3A_109 = arith.cmpi ne, %sign3A_101, %sign3A_108 : i32
      %rem3A_110 = arith.remsi %add3A_83, %jit3A_95 : i32
      %ne3A_111 = arith.constant 0 : i32
      %ne3A_112 = arith.cmpi ne, %rem3A_110, %ne3A_111 : i32
      %and3A_113 = arith.andi %ne3A_109, %ne3A_112 : i1
      %sub3A = arith.constant 1 : i32
      %sub3A_114 = arith.subi %div3A, %sub3A : i32
      %select_n3A_115 = arith.select %and3A_113, %sub3A_114, %div3A : i32
      %mul3A_116 = arith.constant 128 : i32
      %mul3A_117 = arith.muli %select_n3A_115, %mul3A_116 : i32
      %add3A_118 = arith.addi %add3A_4, %mul3A_117 : i32
      %dma_start3A_119 = tpu.memref_slice %arg2[%mul3A_94, %add3A_118] : memref<1000x16384xf32, #tpu.memory_space<hbm>> -> memref<200x128xf32, #tpu.memory_space<hbm>>
      %dma_start3A_120 = tpu.memref_slice %arg2[%mul3A_94, %add3A_118] : memref<1000x16384xf32, #tpu.memory_space<hbm>> -> memref<200x128xf32, #tpu.memory_space<hbm>>
      tpu.enqueue_dma source(%dma_start3A_120 : memref<200x128xf32, #tpu.memory_space<hbm>>) target(%arg5 : memref<200x128xf32, #tpu.memory_space<vmem>>) target_semaphore(%arg8 : memref<!tpu.dma_semaphore, #tpu.memory_space<semaphore_mem>>)
      %jit3A_121 = arith.constant 5 : i32
      %eq3A_122 = arith.constant 0 : i32
      %eq3A_123 = arith.cmpi eq, %jit3A_121, %eq3A_122 : i32
      %jit3A_124 = arith.constant 1 : i32
      %select_n3A_125 = arith.select %eq3A_123, %jit3A_124, %jit3A_121 : i32
      %rem3A_126 = arith.remsi %mul3A_79, %select_n3A_125 : i32
      %ne3A_127 = arith.constant 0 : i32
      %ne3A_128 = arith.cmpi ne, %rem3A_126, %ne3A_127 : i32
      %lt3A_129 = arith.constant 0 : i32
      %lt3A_130 = arith.cmpi slt, %rem3A_126, %lt3A_129 : i32
      %lt3A_131 = arith.constant 0 : i32
      %lt3A_132 = arith.cmpi slt, %select_n3A_125, %lt3A_131 : i32
      %ne3A_133 = arith.xori %lt3A_130, %lt3A_132 : i1
      %and3A_134 = arith.andi %ne3A_133, %ne3A_128 : i1
      %add3A_135 = arith.addi %rem3A_126, %select_n3A_125 : i32
      %select_n3A_136 = arith.select %and3A_134, %add3A_135, %rem3A_126 : i32
      %mul3A_137 = arith.constant 200 : i32
      %mul3A_138 = arith.muli %select_n3A_136, %mul3A_137 : i32
      %jit3A_139 = arith.constant 5 : i32
      %div3A_140 = arith.divsi %mul3A_79, %jit3A_139 : i32
      %sign3A_141 = arith.constant 0 : i32
      %sign3A_142 = arith.cmpi sgt, %mul3A_79, %sign3A_141 : i32
      %sign3A_143 = arith.extui %sign3A_142 : i1 to i32
      %sign3A_144 = arith.constant 0 : i32
      %sign3A_145 = arith.cmpi slt, %mul3A_79, %sign3A_144 : i32
      %sign3A_146 = arith.extui %sign3A_145 : i1 to i32
      %sign3A_147 = arith.subi %sign3A_143, %sign3A_146 : i32
      %sign3A_148 = arith.constant 0 : i32
      %sign3A_149 = arith.cmpi sgt, %jit3A_139, %sign3A_148 : i32
      %sign3A_150 = arith.extui %sign3A_149 : i1 to i32
      %sign3A_151 = arith.constant 0 : i32
      %sign3A_152 = arith.cmpi slt, %jit3A_139, %sign3A_151 : i32
      %sign3A_153 = arith.extui %sign3A_152 : i1 to i32
      %sign3A_154 = arith.subi %sign3A_150, %sign3A_153 : i32
      %ne3A_155 = arith.cmpi ne, %sign3A_147, %sign3A_154 : i32
      %rem3A_156 = arith.remsi %mul3A_79, %jit3A_139 : i32
      %ne3A_157 = arith.constant 0 : i32
      %ne3A_158 = arith.cmpi ne, %rem3A_156, %ne3A_157 : i32
      %and3A_159 = arith.andi %ne3A_155, %ne3A_158 : i1
      %sub3A_160 = arith.constant 1 : i32
      %sub3A_161 = arith.subi %div3A_140, %sub3A_160 : i32
      %select_n3A_162 = arith.select %and3A_159, %sub3A_161, %div3A_140 : i32
      %mul3A_163 = arith.constant 128 : i32
      %mul3A_164 = arith.muli %select_n3A_162, %mul3A_163 : i32
      %add3A_165 = arith.addi %add3A_4, %mul3A_164 : i32
      %dma_wait3A_166 = tpu.memref_slice %arg2[%mul3A_138, %add3A_165] : memref<1000x16384xf32, #tpu.memory_space<hbm>> -> memref<200x128xf32, #tpu.memory_space<hbm>>
      %dma_wait3A_167 = tpu.memref_slice %arg2[%mul3A_138, %add3A_165] : memref<1000x16384xf32, #tpu.memory_space<hbm>> -> memref<200x128xf32, #tpu.memory_space<hbm>>
      tpu.wait_dma2 semaphore(%arg7 : memref<!tpu.dma_semaphore, #tpu.memory_space<semaphore_mem>>) src(%dma_wait3A_167 : memref<200x128xf32, #tpu.memory_space<hbm>>) dst(%arg4 : memref<200x128xf32, #tpu.memory_space<vmem>>)
      %jit3A_168 = arith.constant 5 : i32
      %div3A_169 = arith.divsi %mul3A_79, %jit3A_168 : i32
      %sign3A_170 = arith.constant 0 : i32
      %sign3A_171 = arith.cmpi sgt, %mul3A_79, %sign3A_170 : i32
      %sign3A_172 = arith.extui %sign3A_171 : i1 to i32
      %sign3A_173 = arith.constant 0 : i32
      %sign3A_174 = arith.cmpi slt, %mul3A_79, %sign3A_173 : i32
      %sign3A_175 = arith.extui %sign3A_174 : i1 to i32
      %sign3A_176 = arith.subi %sign3A_172, %sign3A_175 : i32
      %sign3A_177 = arith.constant 0 : i32
      %sign3A_178 = arith.cmpi sgt, %jit3A_168, %sign3A_177 : i32
      %sign3A_179 = arith.extui %sign3A_178 : i1 to i32
      %sign3A_180 = arith.constant 0 : i32
      %sign3A_181 = arith.cmpi slt, %jit3A_168, %sign3A_180 : i32
      %sign3A_182 = arith.extui %sign3A_181 : i1 to i32
      %sign3A_183 = arith.subi %sign3A_179, %sign3A_182 : i32
      %ne3A_184 = arith.cmpi ne, %sign3A_176, %sign3A_183 : i32
      %rem3A_185 = arith.remsi %mul3A_79, %jit3A_168 : i32
      %ne3A_186 = arith.constant 0 : i32
      %ne3A_187 = arith.cmpi ne, %rem3A_185, %ne3A_186 : i32
      %and3A_188 = arith.andi %ne3A_184, %ne3A_187 : i1
      %sub3A_189 = arith.constant 1 : i32
      %sub3A_190 = arith.subi %div3A_169, %sub3A_189 : i32
      %select_n3A_191 = arith.select %and3A_188, %sub3A_190, %div3A_169 : i32
      %mul3A_192 = arith.constant 128 : i32
      %mul3A_193 = arith.muli %select_n3A_191, %mul3A_192 : i32
      %jit3A_194 = arith.constant 5 : i32
      %eq3A_195 = arith.constant 0 : i32
      %eq3A_196 = arith.cmpi eq, %jit3A_194, %eq3A_195 : i32
      %jit3A_197 = arith.constant 1 : i32
      %select_n3A_198 = arith.select %eq3A_196, %jit3A_197, %jit3A_194 : i32
      %rem3A_199 = arith.remsi %mul3A_79, %select_n3A_198 : i32
      %ne3A_200 = arith.constant 0 : i32
      %ne3A_201 = arith.cmpi ne, %rem3A_199, %ne3A_200 : i32
      %lt3A_202 = arith.constant 0 : i32
      %lt3A_203 = arith.cmpi slt, %rem3A_199, %lt3A_202 : i32
      %lt3A_204 = arith.constant 0 : i32
      %lt3A_205 = arith.cmpi slt, %select_n3A_198, %lt3A_204 : i32
      %ne3A_206 = arith.xori %lt3A_203, %lt3A_205 : i1
      %and3A_207 = arith.andi %ne3A_206, %ne3A_201 : i1
      %add3A_208 = arith.addi %rem3A_199, %select_n3A_198 : i32
      %select_n3A_209 = arith.select %and3A_207, %add3A_208, %rem3A_199 : i32
      %mul3A_210 = arith.constant 200 : i32
      %mul3A_211 = arith.muli %select_n3A_209, %mul3A_210 : i32
      %add3A_212 = arith.constant 0 : i32
      %add3A_213 = arith.addi %mul3A_193, %add3A_212 : i32
      %get3A_214 = arith.index_cast %add3A_213 : i32 to index
      %get3A_215 = tpu.vector_load %arg6[%get3A_214] {strides = array<i32>} : memref<128xf32, #tpu.memory_space<vmem>>, vector<16xf32>,
      %add3A_216 = arith.constant 16 : i32
      %add3A_217 = arith.addi %mul3A_193, %add3A_216 : i32
      %get3A_218 = arith.index_cast %add3A_217 : i32 to index
      %get3A_219 = tpu.vector_load %arg6[%get3A_218] {strides = array<i32>} : memref<128xf32, #tpu.memory_space<vmem>>, vector<16xf32>,
      %add3A_220 = arith.constant 32 : i32
      %add3A_221 = arith.addi %mul3A_193, %add3A_220 : i32
      %get3A_222 = arith.index_cast %add3A_221 : i32 to index
      %get3A_223 = tpu.vector_load %arg6[%get3A_222] {strides = array<i32>} : memref<128xf32, #tpu.memory_space<vmem>>, vector<16xf32>,
      %add3A_224 = arith.constant 48 : i32
      %add3A_225 = arith.addi %mul3A_193, %add3A_224 : i32
      %get3A_226 = arith.index_cast %add3A_225 : i32 to index
      %get3A_227 = tpu.vector_load %arg6[%get3A_226] {strides = array<i32>} : memref<128xf32, #tpu.memory_space<vmem>>, vector<16xf32>,
      %add3A_228 = arith.constant 64 : i32
      %add3A_229 = arith.addi %mul3A_193, %add3A_228 : i32
      %get3A_230 = arith.index_cast %add3A_229 : i32 to index
      %get3A_231 = tpu.vector_load %arg6[%get3A_230] {strides = array<i32>} : memref<128xf32, #tpu.memory_space<vmem>>, vector<16xf32>,
      %add3A_232 = arith.constant 80 : i32
      %add3A_233 = arith.addi %mul3A_193, %add3A_232 : i32
      %get3A_234 = arith.index_cast %add3A_233 : i32 to index
      %get3A_235 = tpu.vector_load %arg6[%get3A_234] {strides = array<i32>} : memref<128xf32, #tpu.memory_space<vmem>>, vector<16xf32>,
      %add3A_236 = arith.constant 96 : i32
      %add3A_237 = arith.addi %mul3A_193, %add3A_236 : i32
      %get3A_238 = arith.index_cast %add3A_237 : i32 to index
      %get3A_239 = tpu.vector_load %arg6[%get3A_238] {strides = array<i32>} : memref<128xf32, #tpu.memory_space<vmem>>, vector<16xf32>,
      %add3A_240 = arith.constant 112 : i32
      %add3A_241 = arith.addi %mul3A_193, %add3A_240 : i32
      %get3A_242 = arith.index_cast %add3A_241 : i32 to index
      %get3A_243 = tpu.vector_load %arg6[%get3A_242] {strides = array<i32>} : memref<128xf32, #tpu.memory_space<vmem>>, vector<16xf32>,
      %scan3A_244 = arith.constant 0 : i32
      %scan3A_245 = arith.constant 100 : i32
      %scan3A_246 = arith.addi %scan3A_244, %scan3A_245 : i32
      %scan3A_247 = arith.constant 1 : i32
      %scan3A_248:8 = scf.for %scan3A_494 = %scan3A_244 to %scan3A_246 step %scan3A_247 iter_args(%scan3A_495 = %get3A_215, %scan3A_496 = %get3A_219, %scan3A_497 = %get3A_223, %scan3A_498 = %get3A_227, %scan3A_499 = %get3A_231, %scan3A_500 = %get3A_235, %scan3A_501 = %get3A_239, %scan3A_502 = %get3A_243) -> (vector<16xf32>, vector<16xf32>, vector<16xf32>, vector<16xf32>, vector<16xf32>, vector<16xf32>, vector<16xf32>, vector<16xf32>)  : i32 {
        %mul3A_503 = arith.constant 2 : i32
        %mul3A_504 = arith.muli %mul3A_503, %scan3A_494 : i32
        %add3A_505 = arith.addi %mul3A_211, %mul3A_504 : i32
        %add3A_506 = arith.constant 0 : i32
        %add3A_507 = arith.addi %add3A_505, %add3A_506 : i32
        %convert_element_type3A = arith.sitofp %add3A_507 : i32 to f32
        %mul3A_508 = arith.constant 2 : i32
        %mul3A_509 = arith.muli %mul3A_508, %scan3A_494 : i32
        %add3A_510 = arith.constant 0 : i32
        %add3A_511 = arith.addi %mul3A_509, %add3A_510 : i32
        %get3A_512 = arith.index_cast %add3A_511 : i32 to index
        %get3A_513 = arith.constant 0 : index
        %get3A_514 = tpu.vector_load %arg4[%get3A_512, %get3A_513] {strides = array<i32>} : memref<200x128xf32, #tpu.memory_space<vmem>>, vector<16xf32>,
        %mul3A_515 = vector.broadcast %convert_element_type3A : f32 to vector<16xf32>
        %mul3A_516 = arith.mulf %get3A_514, %mul3A_515 : vector<16xf32>
        %add3A_517 = arith.addf %scan3A_495, %mul3A_516 : vector<16xf32>
        %mul3A_518 = arith.constant 2 : i32
        %mul3A_519 = arith.muli %mul3A_518, %scan3A_494 : i32
        %add3A_520 = arith.constant 0 : i32
        %add3A_521 = arith.addi %mul3A_519, %add3A_520 : i32
        %get3A_522 = arith.index_cast %add3A_521 : i32 to index
        %get3A_523 = arith.constant 16 : index
        %get3A_524 = tpu.vector_load %arg4[%get3A_522, %get3A_523] {strides = array<i32>} : memref<200x128xf32, #tpu.memory_space<vmem>>, vector<16xf32>,
        %mul3A_525 = vector.broadcast %convert_element_type3A : f32 to vector<16xf32>
        %mul3A_526 = arith.mulf %get3A_524, %mul3A_525 : vector<16xf32>
        %add3A_527 = arith.addf %scan3A_496, %mul3A_526 : vector<16xf32>
        %mul3A_528 = arith.constant 2 : i32
        %mul3A_529 = arith.muli %mul3A_528, %scan3A_494 : i32
        %add3A_530 = arith.constant 0 : i32
        %add3A_531 = arith.addi %mul3A_529, %add3A_530 : i32
        %get3A_532 = arith.index_cast %add3A_531 : i32 to index
        %get3A_533 = arith.constant 32 : index
        %get3A_534 = tpu.vector_load %arg4[%get3A_532, %get3A_533] {strides = array<i32>} : memref<200x128xf32, #tpu.memory_space<vmem>>, vector<16xf32>,
        %mul3A_535 = vector.broadcast %convert_element_type3A : f32 to vector<16xf32>
        %mul3A_536 = arith.mulf %get3A_534, %mul3A_535 : vector<16xf32>
        %add3A_537 = arith.addf %scan3A_497, %mul3A_536 : vector<16xf32>
        %mul3A_538 = arith.constant 2 : i32
        %mul3A_539 = arith.muli %mul3A_538, %scan3A_494 : i32
        %add3A_540 = arith.constant 0 : i32
        %add3A_541 = arith.addi %mul3A_539, %add3A_540 : i32
        %get3A_542 = arith.index_cast %add3A_541 : i32 to index
        %get3A_543 = arith.constant 48 : index
        %get3A_544 = tpu.vector_load %arg4[%get3A_542, %get3A_543] {strides = array<i32>} : memref<200x128xf32, #tpu.memory_space<vmem>>, vector<16xf32>,
        %mul3A_545 = vector.broadcast %convert_element_type3A : f32 to vector<16xf32>
        %mul3A_546 = arith.mulf %get3A_544, %mul3A_545 : vector<16xf32>
        %add3A_547 = arith.addf %scan3A_498, %mul3A_546 : vector<16xf32>
        %mul3A_548 = arith.constant 2 : i32
        %mul3A_549 = arith.muli %mul3A_548, %scan3A_494 : i32
        %add3A_550 = arith.constant 0 : i32
        %add3A_551 = arith.addi %mul3A_549, %add3A_550 : i32
        %get3A_552 = arith.index_cast %add3A_551 : i32 to index
        %get3A_553 = arith.constant 64 : index
        %get3A_554 = tpu.vector_load %arg4[%get3A_552, %get3A_553] {strides = array<i32>} : memref<200x128xf32, #tpu.memory_space<vmem>>, vector<16xf32>,
        %mul3A_555 = vector.broadcast %convert_element_type3A : f32 to vector<16xf32>
        %mul3A_556 = arith.mulf %get3A_554, %mul3A_555 : vector<16xf32>
        %add3A_557 = arith.addf %scan3A_499, %mul3A_556 : vector<16xf32>
        %mul3A_558 = arith.constant 2 : i32
        %mul3A_559 = arith.muli %mul3A_558, %scan3A_494 : i32
        %add3A_560 = arith.constant 0 : i32
        %add3A_561 = arith.addi %mul3A_559, %add3A_560 : i32
        %get3A_562 = arith.index_cast %add3A_561 : i32 to index
        %get3A_563 = arith.constant 80 : index
        %get3A_564 = tpu.vector_load %arg4[%get3A_562, %get3A_563] {strides = array<i32>} : memref<200x128xf32, #tpu.memory_space<vmem>>, vector<16xf32>,
        %mul3A_565 = vector.broadcast %convert_element_type3A : f32 to vector<16xf32>
        %mul3A_566 = arith.mulf %get3A_564, %mul3A_565 : vector<16xf32>
        %add3A_567 = arith.addf %scan3A_500, %mul3A_566 : vector<16xf32>
        %mul3A_568 = arith.constant 2 : i32
        %mul3A_569 = arith.muli %mul3A_568, %scan3A_494 : i32
        %add3A_570 = arith.constant 0 : i32
        %add3A_571 = arith.addi %mul3A_569, %add3A_570 : i32
        %get3A_572 = arith.index_cast %add3A_571 : i32 to index
        %get3A_573 = arith.constant 96 : index
        %get3A_574 = tpu.vector_load %arg4[%get3A_572, %get3A_573] {strides = array<i32>} : memref<200x128xf32, #tpu.memory_space<vmem>>, vector<16xf32>,
        %mul3A_575 = vector.broadcast %convert_element_type3A : f32 to vector<16xf32>
        %mul3A_576 = arith.mulf %get3A_574, %mul3A_575 : vector<16xf32>
        %add3A_577 = arith.addf %scan3A_501, %mul3A_576 : vector<16xf32>
        %mul3A_578 = arith.constant 2 : i32
        %mul3A_579 = arith.muli %mul3A_578, %scan3A_494 : i32
        %add3A_580 = arith.constant 0 : i32
        %add3A_581 = arith.addi %mul3A_579, %add3A_580 : i32
        %get3A_582 = arith.index_cast %add3A_581 : i32 to index
        %get3A_583 = arith.constant 112 : index
        %get3A_584 = tpu.vector_load %arg4[%get3A_582, %get3A_583] {strides = array<i32>} : memref<200x128xf32, #tpu.memory_space<vmem>>, vector<16xf32>,
        %mul3A_585 = vector.broadcast %convert_element_type3A : f32 to vector<16xf32>
        %mul3A_586 = arith.mulf %get3A_584, %mul3A_585 : vector<16xf32>
        %add3A_587 = arith.addf %scan3A_502, %mul3A_586 : vector<16xf32>
        %mul3A_588 = arith.constant 2 : i32
        %mul3A_589 = arith.muli %mul3A_588, %scan3A_494 : i32
        %add3A_590 = arith.addi %mul3A_211, %mul3A_589 : i32
        %add3A_591 = arith.constant 1 : i32
        %add3A_592 = arith.addi %add3A_590, %add3A_591 : i32
        %convert_element_type3A_593 = arith.sitofp %add3A_592 : i32 to f32
        %mul3A_594 = arith.constant 2 : i32
        %mul3A_595 = arith.muli %mul3A_594, %scan3A_494 : i32
        %add3A_596 = arith.constant 1 : i32
        %add3A_597 = arith.addi %mul3A_595, %add3A_596 : i32
        %get3A_598 = arith.index_cast %add3A_597 : i32 to index
        %get3A_599 = arith.constant 0 : index
        %get3A_600 = tpu.vector_load %arg4[%get3A_598, %get3A_599] {strides = array<i32>} : memref<200x128xf32, #tpu.memory_space<vmem>>, vector<16xf32>,
        %mul3A_601 = vector.broadcast %convert_element_type3A_593 : f32 to vector<16xf32>
        %mul3A_602 = arith.mulf %get3A_600, %mul3A_601 : vector<16xf32>
        %add3A_603 = arith.addf %add3A_517, %mul3A_602 : vector<16xf32>
        %mul3A_604 = arith.constant 2 : i32
        %mul3A_605 = arith.muli %mul3A_604, %scan3A_494 : i32
        %add3A_606 = arith.constant 1 : i32
        %add3A_607 = arith.addi %mul3A_605, %add3A_606 : i32
        %get3A_608 = arith.index_cast %add3A_607 : i32 to index
        %get3A_609 = arith.constant 16 : index
        %get3A_610 = tpu.vector_load %arg4[%get3A_608, %get3A_609] {strides = array<i32>} : memref<200x128xf32, #tpu.memory_space<vmem>>, vector<16xf32>,
        %mul3A_611 = vector.broadcast %convert_element_type3A_593 : f32 to vector<16xf32>
        %mul3A_612 = arith.mulf %get3A_610, %mul3A_611 : vector<16xf32>
        %add3A_613 = arith.addf %add3A_527, %mul3A_612 : vector<16xf32>
        %mul3A_614 = arith.constant 2 : i32
        %mul3A_615 = arith.muli %mul3A_614, %scan3A_494 : i32
        %add3A_616 = arith.constant 1 : i32
        %add3A_617 = arith.addi %mul3A_615, %add3A_616 : i32
        %get3A_618 = arith.index_cast %add3A_617 : i32 to index
        %get3A_619 = arith.constant 32 : index
        %get3A_620 = tpu.vector_load %arg4[%get3A_618, %get3A_619] {strides = array<i32>} : memref<200x128xf32, #tpu.memory_space<vmem>>, vector<16xf32>,
        %mul3A_621 = vector.broadcast %convert_element_type3A_593 : f32 to vector<16xf32>
        %mul3A_622 = arith.mulf %get3A_620, %mul3A_621 : vector<16xf32>
        %add3A_623 = arith.addf %add3A_537, %mul3A_622 : vector<16xf32>
        %mul3A_624 = arith.constant 2 : i32
        %mul3A_625 = arith.muli %mul3A_624, %scan3A_494 : i32
        %add3A_626 = arith.constant 1 : i32
        %add3A_627 = arith.addi %mul3A_625, %add3A_626 : i32
        %get3A_628 = arith.index_cast %add3A_627 : i32 to index
        %get3A_629 = arith.constant 48 : index
        %get3A_630 = tpu.vector_load %arg4[%get3A_628, %get3A_629] {strides = array<i32>} : memref<200x128xf32, #tpu.memory_space<vmem>>, vector<16xf32>,
        %mul3A_631 = vector.broadcast %convert_element_type3A_593 : f32 to vector<16xf32>
        %mul3A_632 = arith.mulf %get3A_630, %mul3A_631 : vector<16xf32>
        %add3A_633 = arith.addf %add3A_547, %mul3A_632 : vector<16xf32>
        %mul3A_634 = arith.constant 2 : i32
        %mul3A_635 = arith.muli %mul3A_634, %scan3A_494 : i32
        %add3A_636 = arith.constant 1 : i32
        %add3A_637 = arith.addi %mul3A_635, %add3A_636 : i32
        %get3A_638 = arith.index_cast %add3A_637 : i32 to index
        %get3A_639 = arith.constant 64 : index
        %get3A_640 = tpu.vector_load %arg4[%get3A_638, %get3A_639] {strides = array<i32>} : memref<200x128xf32, #tpu.memory_space<vmem>>, vector<16xf32>,
        %mul3A_641 = vector.broadcast %convert_element_type3A_593 : f32 to vector<16xf32>
        %mul3A_642 = arith.mulf %get3A_640, %mul3A_641 : vector<16xf32>
        %add3A_643 = arith.addf %add3A_557, %mul3A_642 : vector<16xf32>
        %mul3A_644 = arith.constant 2 : i32
        %mul3A_645 = arith.muli %mul3A_644, %scan3A_494 : i32
        %add3A_646 = arith.constant 1 : i32
        %add3A_647 = arith.addi %mul3A_645, %add3A_646 : i32
        %get3A_648 = arith.index_cast %add3A_647 : i32 to index
        %get3A_649 = arith.constant 80 : index
        %get3A_650 = tpu.vector_load %arg4[%get3A_648, %get3A_649] {strides = array<i32>} : memref<200x128xf32, #tpu.memory_space<vmem>>, vector<16xf32>,
        %mul3A_651 = vector.broadcast %convert_element_type3A_593 : f32 to vector<16xf32>
        %mul3A_652 = arith.mulf %get3A_650, %mul3A_651 : vector<16xf32>
        %add3A_653 = arith.addf %add3A_567, %mul3A_652 : vector<16xf32>
        %mul3A_654 = arith.constant 2 : i32
        %mul3A_655 = arith.muli %mul3A_654, %scan3A_494 : i32
        %add3A_656 = arith.constant 1 : i32
        %add3A_657 = arith.addi %mul3A_655, %add3A_656 : i32
        %get3A_658 = arith.index_cast %add3A_657 : i32 to index
        %get3A_659 = arith.constant 96 : index
        %get3A_660 = tpu.vector_load %arg4[%get3A_658, %get3A_659] {strides = array<i32>} : memref<200x128xf32, #tpu.memory_space<vmem>>, vector<16xf32>,
        %mul3A_661 = vector.broadcast %convert_element_type3A_593 : f32 to vector<16xf32>
        %mul3A_662 = arith.mulf %get3A_660, %mul3A_661 : vector<16xf32>
        %add3A_663 = arith.addf %add3A_577, %mul3A_662 : vector<16xf32>
        %mul3A_664 = arith.constant 2 : i32
        %mul3A_665 = arith.muli %mul3A_664, %scan3A_494 : i32
        %add3A_666 = arith.constant 1 : i32
        %add3A_667 = arith.addi %mul3A_665, %add3A_666 : i32
        %get3A_668 = arith.index_cast %add3A_667 : i32 to index
        %get3A_669 = arith.constant 112 : index
        %get3A_670 = tpu.vector_load %arg4[%get3A_668, %get3A_669] {strides = array<i32>} : memref<200x128xf32, #tpu.memory_space<vmem>>, vector<16xf32>,
        %mul3A_671 = vector.broadcast %convert_element_type3A_593 : f32 to vector<16xf32>
        %mul3A_672 = arith.mulf %get3A_670, %mul3A_671 : vector<16xf32>
        %add3A_673 = arith.addf %add3A_587, %mul3A_672 : vector<16xf32>
        scf.yield %add3A_603, %add3A_613, %add3A_623, %add3A_633, %add3A_643, %add3A_653, %add3A_663, %add3A_673 : vector<16xf32>, vector<16xf32>, vector<16xf32>, vector<16xf32>, vector<16xf32>, vector<16xf32>, vector<16xf32>, vector<16xf32>
      }
      %scan3A_249 = arith.constant 100 : i32
      %add3A_250 = arith.constant 0 : i32
      %add3A_251 = arith.addi %mul3A_193, %add3A_250 : i32
      %swap3A_252 = arith.index_cast %add3A_251 : i32 to index
      %swap3A_253 = tpu.vector_load %arg6[%swap3A_252] {strides = array<i32>} : memref<128xf32, #tpu.memory_space<vmem>>, vector<16xf32>,
      tpu.vector_store %arg6[%swap3A_252], %scan3A_248#0 {strides = array<i32>} : memref<128xf32, #tpu.memory_space<vmem>>, vector<16xf32>,
      %add3A_254 = arith.constant 16 : i32
      %add3A_255 = arith.addi %mul3A_193, %add3A_254 : i32
      %swap3A_256 = arith.index_cast %add3A_255 : i32 to index
      %swap3A_257 = tpu.vector_load %arg6[%swap3A_256] {strides = array<i32>} : memref<128xf32, #tpu.memory_space<vmem>>, vector<16xf32>,
      tpu.vector_store %arg6[%swap3A_256], %scan3A_248#1 {strides = array<i32>} : memref<128xf32, #tpu.memory_space<vmem>>, vector<16xf32>,
      %add3A_258 = arith.constant 32 : i32
      %add3A_259 = arith.addi %mul3A_193, %add3A_258 : i32
      %swap3A_260 = arith.index_cast %add3A_259 : i32 to index
      %swap3A_261 = tpu.vector_load %arg6[%swap3A_260] {strides = array<i32>} : memref<128xf32, #tpu.memory_space<vmem>>, vector<16xf32>,
      tpu.vector_store %arg6[%swap3A_260], %scan3A_248#2 {strides = array<i32>} : memref<128xf32, #tpu.memory_space<vmem>>, vector<16xf32>,
      %add3A_262 = arith.constant 48 : i32
      %add3A_263 = arith.addi %mul3A_193, %add3A_262 : i32
      %swap3A_264 = arith.index_cast %add3A_263 : i32 to index
      %swap3A_265 = tpu.vector_load %arg6[%swap3A_264] {strides = array<i32>} : memref<128xf32, #tpu.memory_space<vmem>>, vector<16xf32>,
      tpu.vector_store %arg6[%swap3A_264], %scan3A_248#3 {strides = array<i32>} : memref<128xf32, #tpu.memory_space<vmem>>, vector<16xf32>,
      %add3A_266 = arith.constant 64 : i32
      %add3A_267 = arith.addi %mul3A_193, %add3A_266 : i32
      %swap3A_268 = arith.index_cast %add3A_267 : i32 to index
      %swap3A_269 = tpu.vector_load %arg6[%swap3A_268] {strides = array<i32>} : memref<128xf32, #tpu.memory_space<vmem>>, vector<16xf32>,
      tpu.vector_store %arg6[%swap3A_268], %scan3A_248#4 {strides = array<i32>} : memref<128xf32, #tpu.memory_space<vmem>>, vector<16xf32>,
      %add3A_270 = arith.constant 80 : i32
      %add3A_271 = arith.addi %mul3A_193, %add3A_270 : i32
      %swap3A_272 = arith.index_cast %add3A_271 : i32 to index
      %swap3A_273 = tpu.vector_load %arg6[%swap3A_272] {strides = array<i32>} : memref<128xf32, #tpu.memory_space<vmem>>, vector<16xf32>,
      tpu.vector_store %arg6[%swap3A_272], %scan3A_248#5 {strides = array<i32>} : memref<128xf32, #tpu.memory_space<vmem>>, vector<16xf32>,
      %add3A_274 = arith.constant 96 : i32
      %add3A_275 = arith.addi %mul3A_193, %add3A_274 : i32
      %swap3A_276 = arith.index_cast %add3A_275 : i32 to index
      %swap3A_277 = tpu.vector_load %arg6[%swap3A_276] {strides = array<i32>} : memref<128xf32, #tpu.memory_space<vmem>>, vector<16xf32>,
      tpu.vector_store %arg6[%swap3A_276], %scan3A_248#6 {strides = array<i32>} : memref<128xf32, #tpu.memory_space<vmem>>, vector<16xf32>,
      %add3A_278 = arith.constant 112 : i32
      %add3A_279 = arith.addi %mul3A_193, %add3A_278 : i32
      %swap3A_280 = arith.index_cast %add3A_279 : i32 to index
      %swap3A_281 = tpu.vector_load %arg6[%swap3A_280] {strides = array<i32>} : memref<128xf32, #tpu.memory_space<vmem>>, vector<16xf32>,
      tpu.vector_store %arg6[%swap3A_280], %scan3A_248#7 {strides = array<i32>} : memref<128xf32, #tpu.memory_space<vmem>>, vector<16xf32>,
      %add3A_282 = arith.constant 1 : i32
      %add3A_283 = arith.addi %add3A_83, %add3A_282 : i32
      %min3A = arith.constant 4 : i32
      %min3A_284 = arith.minsi %add3A_283, %min3A : i32
      %jit3A_285 = arith.constant 5 : i32
      %eq3A_286 = arith.constant 0 : i32
      %eq3A_287 = arith.cmpi eq, %jit3A_285, %eq3A_286 : i32
      %jit3A_288 = arith.constant 1 : i32
      %select_n3A_289 = arith.select %eq3A_287, %jit3A_288, %jit3A_285 : i32
      %rem3A_290 = arith.remsi %min3A_284, %select_n3A_289 : i32
      %ne3A_291 = arith.constant 0 : i32
      %ne3A_292 = arith.cmpi ne, %rem3A_290, %ne3A_291 : i32
      %lt3A_293 = arith.constant 0 : i32
      %lt3A_294 = arith.cmpi slt, %rem3A_290, %lt3A_293 : i32
      %lt3A_295 = arith.constant 0 : i32
      %lt3A_296 = arith.cmpi slt, %select_n3A_289, %lt3A_295 : i32
      %ne3A_297 = arith.xori %lt3A_294, %lt3A_296 : i1
      %and3A_298 = arith.andi %ne3A_297, %ne3A_292 : i1
      %add3A_299 = arith.addi %rem3A_290, %select_n3A_289 : i32
      %select_n3A_300 = arith.select %and3A_298, %add3A_299, %rem3A_290 : i32
      %mul3A_301 = arith.constant 200 : i32
      %mul3A_302 = arith.muli %select_n3A_300, %mul3A_301 : i32
      %jit3A_303 = arith.constant 5 : i32
      %div3A_304 = arith.divsi %min3A_284, %jit3A_303 : i32
      %sign3A_305 = arith.constant 0 : i32
      %sign3A_306 = arith.cmpi sgt, %min3A_284, %sign3A_305 : i32
      %sign3A_307 = arith.extui %sign3A_306 : i1 to i32
      %sign3A_308 = arith.constant 0 : i32
      %sign3A_309 = arith.cmpi slt, %min3A_284, %sign3A_308 : i32
      %sign3A_310 = arith.extui %sign3A_309 : i1 to i32
      %sign3A_311 = arith.subi %sign3A_307, %sign3A_310 : i32
      %sign3A_312 = arith.constant 0 : i32
      %sign3A_313 = arith.cmpi sgt, %jit3A_303, %sign3A_312 : i32
      %sign3A_314 = arith.extui %sign3A_313 : i1 to i32
      %sign3A_315 = arith.constant 0 : i32
      %sign3A_316 = arith.cmpi slt, %jit3A_303, %sign3A_315 : i32
      %sign3A_317 = arith.extui %sign3A_316 : i1 to i32
      %sign3A_318 = arith.subi %sign3A_314, %sign3A_317 : i32
      %ne3A_319 = arith.cmpi ne, %sign3A_311, %sign3A_318 : i32
      %rem3A_320 = arith.remsi %min3A_284, %jit3A_303 : i32
      %ne3A_321 = arith.constant 0 : i32
      %ne3A_322 = arith.cmpi ne, %rem3A_320, %ne3A_321 : i32
      %and3A_323 = arith.andi %ne3A_319, %ne3A_322 : i1
      %sub3A_324 = arith.constant 1 : i32
      %sub3A_325 = arith.subi %div3A_304, %sub3A_324 : i32
      %select_n3A_326 = arith.select %and3A_323, %sub3A_325, %div3A_304 : i32
      %mul3A_327 = arith.constant 128 : i32
      %mul3A_328 = arith.muli %select_n3A_326, %mul3A_327 : i32
      %add3A_329 = arith.addi %add3A_4, %mul3A_328 : i32
      %dma_start3A_330 = tpu.memref_slice %arg2[%mul3A_302, %add3A_329] : memref<1000x16384xf32, #tpu.memory_space<hbm>> -> memref<200x128xf32, #tpu.memory_space<hbm>>
      %dma_start3A_331 = tpu.memref_slice %arg2[%mul3A_302, %add3A_329] : memref<1000x16384xf32, #tpu.memory_space<hbm>> -> memref<200x128xf32, #tpu.memory_space<hbm>>
      tpu.enqueue_dma source(%dma_start3A_331 : memref<200x128xf32, #tpu.memory_space<hbm>>) target(%arg4 : memref<200x128xf32, #tpu.memory_space<vmem>>) target_semaphore(%arg7 : memref<!tpu.dma_semaphore, #tpu.memory_space<semaphore_mem>>)
      %jit3A_332 = arith.constant 5 : i32
      %eq3A_333 = arith.constant 0 : i32
      %eq3A_334 = arith.cmpi eq, %jit3A_332, %eq3A_333 : i32
      %jit3A_335 = arith.constant 1 : i32
      %select_n3A_336 = arith.select %eq3A_334, %jit3A_335, %jit3A_332 : i32
      %rem3A_337 = arith.remsi %add3A_83, %select_n3A_336 : i32
      %ne3A_338 = arith.constant 0 : i32
      %ne3A_339 = arith.cmpi ne, %rem3A_337, %ne3A_338 : i32
      %lt3A_340 = arith.constant 0 : i32
      %lt3A_341 = arith.cmpi slt, %rem3A_337, %lt3A_340 : i32
      %lt3A_342 = arith.constant 0 : i32
      %lt3A_343 = arith.cmpi slt, %select_n3A_336, %lt3A_342 : i32
      %ne3A_344 = arith.xori %lt3A_341, %lt3A_343 : i1
      %and3A_345 = arith.andi %ne3A_344, %ne3A_339 : i1
      %add3A_346 = arith.addi %rem3A_337, %select_n3A_336 : i32
      %select_n3A_347 = arith.select %and3A_345, %add3A_346, %rem3A_337 : i32
      %mul3A_348 = arith.constant 200 : i32
      %mul3A_349 = arith.muli %select_n3A_347, %mul3A_348 : i32
      %jit3A_350 = arith.constant 5 : i32
      %div3A_351 = arith.divsi %add3A_83, %jit3A_350 : i32
      %sign3A_352 = arith.constant 0 : i32
      %sign3A_353 = arith.cmpi sgt, %add3A_83, %sign3A_352 : i32
      %sign3A_354 = arith.extui %sign3A_353 : i1 to i32
      %sign3A_355 = arith.constant 0 : i32
      %sign3A_356 = arith.cmpi slt, %add3A_83, %sign3A_355 : i32
      %sign3A_357 = arith.extui %sign3A_356 : i1 to i32
      %sign3A_358 = arith.subi %sign3A_354, %sign3A_357 : i32
      %sign3A_359 = arith.constant 0 : i32
      %sign3A_360 = arith.cmpi sgt, %jit3A_350, %sign3A_359 : i32
      %sign3A_361 = arith.extui %sign3A_360 : i1 to i32
      %sign3A_362 = arith.constant 0 : i32
      %sign3A_363 = arith.cmpi slt, %jit3A_350, %sign3A_362 : i32
      %sign3A_364 = arith.extui %sign3A_363 : i1 to i32
      %sign3A_365 = arith.subi %sign3A_361, %sign3A_364 : i32
      %ne3A_366 = arith.cmpi ne, %sign3A_358, %sign3A_365 : i32
      %rem3A_367 = arith.remsi %add3A_83, %jit3A_350 : i32
      %ne3A_368 = arith.constant 0 : i32
      %ne3A_369 = arith.cmpi ne, %rem3A_367, %ne3A_368 : i32
      %and3A_370 = arith.andi %ne3A_366, %ne3A_369 : i1
      %sub3A_371 = arith.constant 1 : i32
      %sub3A_372 = arith.subi %div3A_351, %sub3A_371 : i32
      %select_n3A_373 = arith.select %and3A_370, %sub3A_372, %div3A_351 : i32
      %mul3A_374 = arith.constant 128 : i32
      %mul3A_375 = arith.muli %select_n3A_373, %mul3A_374 : i32
      %add3A_376 = arith.addi %add3A_4, %mul3A_375 : i32
      %dma_wait3A_377 = tpu.memref_slice %arg2[%mul3A_349, %add3A_376] : memref<1000x16384xf32, #tpu.memory_space<hbm>> -> memref<200x128xf32, #tpu.memory_space<hbm>>
      %dma_wait3A_378 = tpu.memref_slice %arg2[%mul3A_349, %add3A_376] : memref<1000x16384xf32, #tpu.memory_space<hbm>> -> memref<200x128xf32, #tpu.memory_space<hbm>>
      tpu.wait_dma2 semaphore(%arg8 : memref<!tpu.dma_semaphore, #tpu.memory_space<semaphore_mem>>) src(%dma_wait3A_378 : memref<200x128xf32, #tpu.memory_space<hbm>>) dst(%arg5 : memref<200x128xf32, #tpu.memory_space<vmem>>)
      %jit3A_379 = arith.constant 5 : i32
      %div3A_380 = arith.divsi %add3A_83, %jit3A_379 : i32
      %sign3A_381 = arith.constant 0 : i32
      %sign3A_382 = arith.cmpi sgt, %add3A_83, %sign3A_381 : i32
      %sign3A_383 = arith.extui %sign3A_382 : i1 to i32
      %sign3A_384 = arith.constant 0 : i32
      %sign3A_385 = arith.cmpi slt, %add3A_83, %sign3A_384 : i32
      %sign3A_386 = arith.extui %sign3A_385 : i1 to i32
      %sign3A_387 = arith.subi %sign3A_383, %sign3A_386 : i32
      %sign3A_388 = arith.constant 0 : i32
      %sign3A_389 = arith.cmpi sgt, %jit3A_379, %sign3A_388 : i32
      %sign3A_390 = arith.extui %sign3A_389 : i1 to i32
      %sign3A_391 = arith.constant 0 : i32
      %sign3A_392 = arith.cmpi slt, %jit3A_379, %sign3A_391 : i32
      %sign3A_393 = arith.extui %sign3A_392 : i1 to i32
      %sign3A_394 = arith.subi %sign3A_390, %sign3A_393 : i32
      %ne3A_395 = arith.cmpi ne, %sign3A_387, %sign3A_394 : i32
      %rem3A_396 = arith.remsi %add3A_83, %jit3A_379 : i32
      %ne3A_397 = arith.constant 0 : i32
      %ne3A_398 = arith.cmpi ne, %rem3A_396, %ne3A_397 : i32
      %and3A_399 = arith.andi %ne3A_395, %ne3A_398 : i1
      %sub3A_400 = arith.constant 1 : i32
      %sub3A_401 = arith.subi %div3A_380, %sub3A_400 : i32
      %select_n3A_402 = arith.select %and3A_399, %sub3A_401, %div3A_380 : i32
      %mul3A_403 = arith.constant 128 : i32
      %mul3A_404 = arith.muli %select_n3A_402, %mul3A_403 : i32
      %jit3A_405 = arith.constant 5 : i32
      %eq3A_406 = arith.constant 0 : i32
      %eq3A_407 = arith.cmpi eq, %jit3A_405, %eq3A_406 : i32
      %jit3A_408 = arith.constant 1 : i32
      %select_n3A_409 = arith.select %eq3A_407, %jit3A_408, %jit3A_405 : i32
      %rem3A_410 = arith.remsi %add3A_83, %select_n3A_409 : i32
      %ne3A_411 = arith.constant 0 : i32
      %ne3A_412 = arith.cmpi ne, %rem3A_410, %ne3A_411 : i32
      %lt3A_413 = arith.constant 0 : i32
      %lt3A_414 = arith.cmpi slt, %rem3A_410, %lt3A_413 : i32
      %lt3A_415 = arith.constant 0 : i32
      %lt3A_416 = arith.cmpi slt, %select_n3A_409, %lt3A_415 : i32
      %ne3A_417 = arith.xori %lt3A_414, %lt3A_416 : i1
      %and3A_418 = arith.andi %ne3A_417, %ne3A_412 : i1
      %add3A_419 = arith.addi %rem3A_410, %select_n3A_409 : i32
      %select_n3A_420 = arith.select %and3A_418, %add3A_419, %rem3A_410 : i32
      %mul3A_421 = arith.constant 200 : i32
      %mul3A_422 = arith.muli %select_n3A_420, %mul3A_421 : i32
      %add3A_423 = arith.constant 0 : i32
      %add3A_424 = arith.addi %mul3A_404, %add3A_423 : i32
      %get3A_425 = arith.index_cast %add3A_424 : i32 to index
      %get3A_426 = tpu.vector_load %arg6[%get3A_425] {strides = array<i32>} : memref<128xf32, #tpu.memory_space<vmem>>, vector<16xf32>,
      %add3A_427 = arith.constant 16 : i32
      %add3A_428 = arith.addi %mul3A_404, %add3A_427 : i32
      %get3A_429 = arith.index_cast %add3A_428 : i32 to index
      %get3A_430 = tpu.vector_load %arg6[%get3A_429] {strides = array<i32>} : memref<128xf32, #tpu.memory_space<vmem>>, vector<16xf32>,
      %add3A_431 = arith.constant 32 : i32
      %add3A_432 = arith.addi %mul3A_404, %add3A_431 : i32
      %get3A_433 = arith.index_cast %add3A_432 : i32 to index
      %get3A_434 = tpu.vector_load %arg6[%get3A_433] {strides = array<i32>} : memref<128xf32, #tpu.memory_space<vmem>>, vector<16xf32>,
      %add3A_435 = arith.constant 48 : i32
      %add3A_436 = arith.addi %mul3A_404, %add3A_435 : i32
      %get3A_437 = arith.index_cast %add3A_436 : i32 to index
      %get3A_438 = tpu.vector_load %arg6[%get3A_437] {strides = array<i32>} : memref<128xf32, #tpu.memory_space<vmem>>, vector<16xf32>,
      %add3A_439 = arith.constant 64 : i32
      %add3A_440 = arith.addi %mul3A_404, %add3A_439 : i32
      %get3A_441 = arith.index_cast %add3A_440 : i32 to index
      %get3A_442 = tpu.vector_load %arg6[%get3A_441] {strides = array<i32>} : memref<128xf32, #tpu.memory_space<vmem>>, vector<16xf32>,
      %add3A_443 = arith.constant 80 : i32
      %add3A_444 = arith.addi %mul3A_404, %add3A_443 : i32
      %get3A_445 = arith.index_cast %add3A_444 : i32 to index
      %get3A_446 = tpu.vector_load %arg6[%get3A_445] {strides = array<i32>} : memref<128xf32, #tpu.memory_space<vmem>>, vector<16xf32>,
      %add3A_447 = arith.constant 96 : i32
      %add3A_448 = arith.addi %mul3A_404, %add3A_447 : i32
      %get3A_449 = arith.index_cast %add3A_448 : i32 to index
      %get3A_450 = tpu.vector_load %arg6[%get3A_449] {strides = array<i32>} : memref<128xf32, #tpu.memory_space<vmem>>, vector<16xf32>,
      %add3A_451 = arith.constant 112 : i32
      %add3A_452 = arith.addi %mul3A_404, %add3A_451 : i32
      %get3A_453 = arith.index_cast %add3A_452 : i32 to index
      %get3A_454 = tpu.vector_load %arg6[%get3A_453] {strides = array<i32>} : memref<128xf32, #tpu.memory_space<vmem>>, vector<16xf32>,
      %scan3A_455 = arith.constant 0 : i32
      %scan3A_456 = arith.constant 100 : i32
      %scan3A_457 = arith.addi %scan3A_455, %scan3A_456 : i32
      %scan3A_458 = arith.constant 1 : i32
      %scan3A_459:8 = scf.for %scan3A_494 = %scan3A_455 to %scan3A_457 step %scan3A_458 iter_args(%scan3A_495 = %get3A_426, %scan3A_496 = %get3A_430, %scan3A_497 = %get3A_434, %scan3A_498 = %get3A_438, %scan3A_499 = %get3A_442, %scan3A_500 = %get3A_446, %scan3A_501 = %get3A_450, %scan3A_502 = %get3A_454) -> (vector<16xf32>, vector<16xf32>, vector<16xf32>, vector<16xf32>, vector<16xf32>, vector<16xf32>, vector<16xf32>, vector<16xf32>)  : i32 {
        %mul3A_503 = arith.constant 2 : i32
        %mul3A_504 = arith.muli %mul3A_503, %scan3A_494 : i32
        %add3A_505 = arith.addi %mul3A_422, %mul3A_504 : i32
        %add3A_506 = arith.constant 0 : i32
        %add3A_507 = arith.addi %add3A_505, %add3A_506 : i32
        %convert_element_type3A = arith.sitofp %add3A_507 : i32 to f32
        %mul3A_508 = arith.constant 2 : i32
        %mul3A_509 = arith.muli %mul3A_508, %scan3A_494 : i32
        %add3A_510 = arith.constant 0 : i32
        %add3A_511 = arith.addi %mul3A_509, %add3A_510 : i32
        %get3A_512 = arith.index_cast %add3A_511 : i32 to index
        %get3A_513 = arith.constant 0 : index
        %get3A_514 = tpu.vector_load %arg5[%get3A_512, %get3A_513] {strides = array<i32>} : memref<200x128xf32, #tpu.memory_space<vmem>>, vector<16xf32>,
        %mul3A_515 = vector.broadcast %convert_element_type3A : f32 to vector<16xf32>
        %mul3A_516 = arith.mulf %get3A_514, %mul3A_515 : vector<16xf32>
        %add3A_517 = arith.addf %scan3A_495, %mul3A_516 : vector<16xf32>
        %mul3A_518 = arith.constant 2 : i32
        %mul3A_519 = arith.muli %mul3A_518, %scan3A_494 : i32
        %add3A_520 = arith.constant 0 : i32
        %add3A_521 = arith.addi %mul3A_519, %add3A_520 : i32
        %get3A_522 = arith.index_cast %add3A_521 : i32 to index
        %get3A_523 = arith.constant 16 : index
        %get3A_524 = tpu.vector_load %arg5[%get3A_522, %get3A_523] {strides = array<i32>} : memref<200x128xf32, #tpu.memory_space<vmem>>, vector<16xf32>,
        %mul3A_525 = vector.broadcast %convert_element_type3A : f32 to vector<16xf32>
        %mul3A_526 = arith.mulf %get3A_524, %mul3A_525 : vector<16xf32>
        %add3A_527 = arith.addf %scan3A_496, %mul3A_526 : vector<16xf32>
        %mul3A_528 = arith.constant 2 : i32
        %mul3A_529 = arith.muli %mul3A_528, %scan3A_494 : i32
        %add3A_530 = arith.constant 0 : i32
        %add3A_531 = arith.addi %mul3A_529, %add3A_530 : i32
        %get3A_532 = arith.index_cast %add3A_531 : i32 to index
        %get3A_533 = arith.constant 32 : index
        %get3A_534 = tpu.vector_load %arg5[%get3A_532, %get3A_533] {strides = array<i32>} : memref<200x128xf32, #tpu.memory_space<vmem>>, vector<16xf32>,
        %mul3A_535 = vector.broadcast %convert_element_type3A : f32 to vector<16xf32>
        %mul3A_536 = arith.mulf %get3A_534, %mul3A_535 : vector<16xf32>
        %add3A_537 = arith.addf %scan3A_497, %mul3A_536 : vector<16xf32>
        %mul3A_538 = arith.constant 2 : i32
        %mul3A_539 = arith.muli %mul3A_538, %scan3A_494 : i32
        %add3A_540 = arith.constant 0 : i32
        %add3A_541 = arith.addi %mul3A_539, %add3A_540 : i32
        %get3A_542 = arith.index_cast %add3A_541 : i32 to index
        %get3A_543 = arith.constant 48 : index
        %get3A_544 = tpu.vector_load %arg5[%get3A_542, %get3A_543] {strides = array<i32>} : memref<200x128xf32, #tpu.memory_space<vmem>>, vector<16xf32>,
        %mul3A_545 = vector.broadcast %convert_element_type3A : f32 to vector<16xf32>
        %mul3A_546 = arith.mulf %get3A_544, %mul3A_545 : vector<16xf32>
        %add3A_547 = arith.addf %scan3A_498, %mul3A_546 : vector<16xf32>
        %mul3A_548 = arith.constant 2 : i32
        %mul3A_549 = arith.muli %mul3A_548, %scan3A_494 : i32
        %add3A_550 = arith.constant 0 : i32
        %add3A_551 = arith.addi %mul3A_549, %add3A_550 : i32
        %get3A_552 = arith.index_cast %add3A_551 : i32 to index
        %get3A_553 = arith.constant 64 : index
        %get3A_554 = tpu.vector_load %arg5[%get3A_552, %get3A_553] {strides = array<i32>} : memref<200x128xf32, #tpu.memory_space<vmem>>, vector<16xf32>,
        %mul3A_555 = vector.broadcast %convert_element_type3A : f32 to vector<16xf32>
        %mul3A_556 = arith.mulf %get3A_554, %mul3A_555 : vector<16xf32>
        %add3A_557 = arith.addf %scan3A_499, %mul3A_556 : vector<16xf32>
        %mul3A_558 = arith.constant 2 : i32
        %mul3A_559 = arith.muli %mul3A_558, %scan3A_494 : i32
        %add3A_560 = arith.constant 0 : i32
        %add3A_561 = arith.addi %mul3A_559, %add3A_560 : i32
        %get3A_562 = arith.index_cast %add3A_561 : i32 to index
        %get3A_563 = arith.constant 80 : index
        %get3A_564 = tpu.vector_load %arg5[%get3A_562, %get3A_563] {strides = array<i32>} : memref<200x128xf32, #tpu.memory_space<vmem>>, vector<16xf32>,
        %mul3A_565 = vector.broadcast %convert_element_type3A : f32 to vector<16xf32>
        %mul3A_566 = arith.mulf %get3A_564, %mul3A_565 : vector<16xf32>
        %add3A_567 = arith.addf %scan3A_500, %mul3A_566 : vector<16xf32>
        %mul3A_568 = arith.constant 2 : i32
        %mul3A_569 = arith.muli %mul3A_568, %scan3A_494 : i32
        %add3A_570 = arith.constant 0 : i32
        %add3A_571 = arith.addi %mul3A_569, %add3A_570 : i32
        %get3A_572 = arith.index_cast %add3A_571 : i32 to index
        %get3A_573 = arith.constant 96 : index
        %get3A_574 = tpu.vector_load %arg5[%get3A_572, %get3A_573] {strides = array<i32>} : memref<200x128xf32, #tpu.memory_space<vmem>>, vector<16xf32>,
        %mul3A_575 = vector.broadcast %convert_element_type3A : f32 to vector<16xf32>
        %mul3A_576 = arith.mulf %get3A_574, %mul3A_575 : vector<16xf32>
        %add3A_577 = arith.addf %scan3A_501, %mul3A_576 : vector<16xf32>
        %mul3A_578 = arith.constant 2 : i32
        %mul3A_579 = arith.muli %mul3A_578, %scan3A_494 : i32
        %add3A_580 = arith.constant 0 : i32
        %add3A_581 = arith.addi %mul3A_579, %add3A_580 : i32
        %get3A_582 = arith.index_cast %add3A_581 : i32 to index
        %get3A_583 = arith.constant 112 : index
        %get3A_584 = tpu.vector_load %arg5[%get3A_582, %get3A_583] {strides = array<i32>} : memref<200x128xf32, #tpu.memory_space<vmem>>, vector<16xf32>,
        %mul3A_585 = vector.broadcast %convert_element_type3A : f32 to vector<16xf32>
        %mul3A_586 = arith.mulf %get3A_584, %mul3A_585 : vector<16xf32>
        %add3A_587 = arith.addf %scan3A_502, %mul3A_586 : vector<16xf32>
        %mul3A_588 = arith.constant 2 : i32
        %mul3A_589 = arith.muli %mul3A_588, %scan3A_494 : i32
        %add3A_590 = arith.addi %mul3A_422, %mul3A_589 : i32
        %add3A_591 = arith.constant 1 : i32
        %add3A_592 = arith.addi %add3A_590, %add3A_591 : i32
        %convert_element_type3A_593 = arith.sitofp %add3A_592 : i32 to f32
        %mul3A_594 = arith.constant 2 : i32
        %mul3A_595 = arith.muli %mul3A_594, %scan3A_494 : i32
        %add3A_596 = arith.constant 1 : i32
        %add3A_597 = arith.addi %mul3A_595, %add3A_596 : i32
        %get3A_598 = arith.index_cast %add3A_597 : i32 to index
        %get3A_599 = arith.constant 0 : index
        %get3A_600 = tpu.vector_load %arg5[%get3A_598, %get3A_599] {strides = array<i32>} : memref<200x128xf32, #tpu.memory_space<vmem>>, vector<16xf32>,
        %mul3A_601 = vector.broadcast %convert_element_type3A_593 : f32 to vector<16xf32>
        %mul3A_602 = arith.mulf %get3A_600, %mul3A_601 : vector<16xf32>
        %add3A_603 = arith.addf %add3A_517, %mul3A_602 : vector<16xf32>
        %mul3A_604 = arith.constant 2 : i32
        %mul3A_605 = arith.muli %mul3A_604, %scan3A_494 : i32
        %add3A_606 = arith.constant 1 : i32
        %add3A_607 = arith.addi %mul3A_605, %add3A_606 : i32
        %get3A_608 = arith.index_cast %add3A_607 : i32 to index
        %get3A_609 = arith.constant 16 : index
        %get3A_610 = tpu.vector_load %arg5[%get3A_608, %get3A_609] {strides = array<i32>} : memref<200x128xf32, #tpu.memory_space<vmem>>, vector<16xf32>,
        %mul3A_611 = vector.broadcast %convert_element_type3A_593 : f32 to vector<16xf32>
        %mul3A_612 = arith.mulf %get3A_610, %mul3A_611 : vector<16xf32>
        %add3A_613 = arith.addf %add3A_527, %mul3A_612 : vector<16xf32>
        %mul3A_614 = arith.constant 2 : i32
        %mul3A_615 = arith.muli %mul3A_614, %scan3A_494 : i32
        %add3A_616 = arith.constant 1 : i32
        %add3A_617 = arith.addi %mul3A_615, %add3A_616 : i32
        %get3A_618 = arith.index_cast %add3A_617 : i32 to index
        %get3A_619 = arith.constant 32 : index
        %get3A_620 = tpu.vector_load %arg5[%get3A_618, %get3A_619] {strides = array<i32>} : memref<200x128xf32, #tpu.memory_space<vmem>>, vector<16xf32>,
        %mul3A_621 = vector.broadcast %convert_element_type3A_593 : f32 to vector<16xf32>
        %mul3A_622 = arith.mulf %get3A_620, %mul3A_621 : vector<16xf32>
        %add3A_623 = arith.addf %add3A_537, %mul3A_622 : vector<16xf32>
        %mul3A_624 = arith.constant 2 : i32
        %mul3A_625 = arith.muli %mul3A_624, %scan3A_494 : i32
        %add3A_626 = arith.constant 1 : i32
        %add3A_627 = arith.addi %mul3A_625, %add3A_626 : i32
        %get3A_628 = arith.index_cast %add3A_627 : i32 to index
        %get3A_629 = arith.constant 48 : index
        %get3A_630 = tpu.vector_load %arg5[%get3A_628, %get3A_629] {strides = array<i32>} : memref<200x128xf32, #tpu.memory_space<vmem>>, vector<16xf32>,
        %mul3A_631 = vector.broadcast %convert_element_type3A_593 : f32 to vector<16xf32>
        %mul3A_632 = arith.mulf %get3A_630, %mul3A_631 : vector<16xf32>
        %add3A_633 = arith.addf %add3A_547, %mul3A_632 : vector<16xf32>
        %mul3A_634 = arith.constant 2 : i32
        %mul3A_635 = arith.muli %mul3A_634, %scan3A_494 : i32
        %add3A_636 = arith.constant 1 : i32
        %add3A_637 = arith.addi %mul3A_635, %add3A_636 : i32
        %get3A_638 = arith.index_cast %add3A_637 : i32 to index
        %get3A_639 = arith.constant 64 : index
        %get3A_640 = tpu.vector_load %arg5[%get3A_638, %get3A_639] {strides = array<i32>} : memref<200x128xf32, #tpu.memory_space<vmem>>, vector<16xf32>,
        %mul3A_641 = vector.broadcast %convert_element_type3A_593 : f32 to vector<16xf32>
        %mul3A_642 = arith.mulf %get3A_640, %mul3A_641 : vector<16xf32>
        %add3A_643 = arith.addf %add3A_557, %mul3A_642 : vector<16xf32>
        %mul3A_644 = arith.constant 2 : i32
        %mul3A_645 = arith.muli %mul3A_644, %scan3A_494 : i32
        %add3A_646 = arith.constant 1 : i32
        %add3A_647 = arith.addi %mul3A_645, %add3A_646 : i32
        %get3A_648 = arith.index_cast %add3A_647 : i32 to index
        %get3A_649 = arith.constant 80 : index
        %get3A_650 = tpu.vector_load %arg5[%get3A_648, %get3A_649] {strides = array<i32>} : memref<200x128xf32, #tpu.memory_space<vmem>>, vector<16xf32>,
        %mul3A_651 = vector.broadcast %convert_element_type3A_593 : f32 to vector<16xf32>
        %mul3A_652 = arith.mulf %get3A_650, %mul3A_651 : vector<16xf32>
        %add3A_653 = arith.addf %add3A_567, %mul3A_652 : vector<16xf32>
        %mul3A_654 = arith.constant 2 : i32
        %mul3A_655 = arith.muli %mul3A_654, %scan3A_494 : i32
        %add3A_656 = arith.constant 1 : i32
        %add3A_657 = arith.addi %mul3A_655, %add3A_656 : i32
        %get3A_658 = arith.index_cast %add3A_657 : i32 to index
        %get3A_659 = arith.constant 96 : index
        %get3A_660 = tpu.vector_load %arg5[%get3A_658, %get3A_659] {strides = array<i32>} : memref<200x128xf32, #tpu.memory_space<vmem>>, vector<16xf32>,
        %mul3A_661 = vector.broadcast %convert_element_type3A_593 : f32 to vector<16xf32>
        %mul3A_662 = arith.mulf %get3A_660, %mul3A_661 : vector<16xf32>
        %add3A_663 = arith.addf %add3A_577, %mul3A_662 : vector<16xf32>
        %mul3A_664 = arith.constant 2 : i32
        %mul3A_665 = arith.muli %mul3A_664, %scan3A_494 : i32
        %add3A_666 = arith.constant 1 : i32
        %add3A_667 = arith.addi %mul3A_665, %add3A_666 : i32
        %get3A_668 = arith.index_cast %add3A_667 : i32 to index
        %get3A_669 = arith.constant 112 : index
        %get3A_670 = tpu.vector_load %arg5[%get3A_668, %get3A_669] {strides = array<i32>} : memref<200x128xf32, #tpu.memory_space<vmem>>, vector<16xf32>,
        %mul3A_671 = vector.broadcast %convert_element_type3A_593 : f32 to vector<16xf32>
        %mul3A_672 = arith.mulf %get3A_670, %mul3A_671 : vector<16xf32>
        %add3A_673 = arith.addf %add3A_587, %mul3A_672 : vector<16xf32>
        scf.yield %add3A_603, %add3A_613, %add3A_623, %add3A_633, %add3A_643, %add3A_653, %add3A_663, %add3A_673 : vector<16xf32>, vector<16xf32>, vector<16xf32>, vector<16xf32>, vector<16xf32>, vector<16xf32>, vector<16xf32>, vector<16xf32>
      }
      %scan3A_460 = arith.constant 100 : i32
      %add3A_461 = arith.constant 0 : i32
      %add3A_462 = arith.addi %mul3A_404, %add3A_461 : i32
      %swap3A_463 = arith.index_cast %add3A_462 : i32 to index
      %swap3A_464 = tpu.vector_load %arg6[%swap3A_463] {strides = array<i32>} : memref<128xf32, #tpu.memory_space<vmem>>, vector<16xf32>,
      tpu.vector_store %arg6[%swap3A_463], %scan3A_459#0 {strides = array<i32>} : memref<128xf32, #tpu.memory_space<vmem>>, vector<16xf32>,
      %add3A_465 = arith.constant 16 : i32
      %add3A_466 = arith.addi %mul3A_404, %add3A_465 : i32
      %swap3A_467 = arith.index_cast %add3A_466 : i32 to index
      %swap3A_468 = tpu.vector_load %arg6[%swap3A_467] {strides = array<i32>} : memref<128xf32, #tpu.memory_space<vmem>>, vector<16xf32>,
      tpu.vector_store %arg6[%swap3A_467], %scan3A_459#1 {strides = array<i32>} : memref<128xf32, #tpu.memory_space<vmem>>, vector<16xf32>,
      %add3A_469 = arith.constant 32 : i32
      %add3A_470 = arith.addi %mul3A_404, %add3A_469 : i32
      %swap3A_471 = arith.index_cast %add3A_470 : i32 to index
      %swap3A_472 = tpu.vector_load %arg6[%swap3A_471] {strides = array<i32>} : memref<128xf32, #tpu.memory_space<vmem>>, vector<16xf32>,
      tpu.vector_store %arg6[%swap3A_471], %scan3A_459#2 {strides = array<i32>} : memref<128xf32, #tpu.memory_space<vmem>>, vector<16xf32>,
      %add3A_473 = arith.constant 48 : i32
      %add3A_474 = arith.addi %mul3A_404, %add3A_473 : i32
      %swap3A_475 = arith.index_cast %add3A_474 : i32 to index
      %swap3A_476 = tpu.vector_load %arg6[%swap3A_475] {strides = array<i32>} : memref<128xf32, #tpu.memory_space<vmem>>, vector<16xf32>,
      tpu.vector_store %arg6[%swap3A_475], %scan3A_459#3 {strides = array<i32>} : memref<128xf32, #tpu.memory_space<vmem>>, vector<16xf32>,
      %add3A_477 = arith.constant 64 : i32
      %add3A_478 = arith.addi %mul3A_404, %add3A_477 : i32
      %swap3A_479 = arith.index_cast %add3A_478 : i32 to index
      %swap3A_480 = tpu.vector_load %arg6[%swap3A_479] {strides = array<i32>} : memref<128xf32, #tpu.memory_space<vmem>>, vector<16xf32>,
      tpu.vector_store %arg6[%swap3A_479], %scan3A_459#4 {strides = array<i32>} : memref<128xf32, #tpu.memory_space<vmem>>, vector<16xf32>,
      %add3A_481 = arith.constant 80 : i32
      %add3A_482 = arith.addi %mul3A_404, %add3A_481 : i32
      %swap3A_483 = arith.index_cast %add3A_482 : i32 to index
      %swap3A_484 = tpu.vector_load %arg6[%swap3A_483] {strides = array<i32>} : memref<128xf32, #tpu.memory_space<vmem>>, vector<16xf32>,
      tpu.vector_store %arg6[%swap3A_483], %scan3A_459#5 {strides = array<i32>} : memref<128xf32, #tpu.memory_space<vmem>>, vector<16xf32>,
      %add3A_485 = arith.constant 96 : i32
      %add3A_486 = arith.addi %mul3A_404, %add3A_485 : i32
      %swap3A_487 = arith.index_cast %add3A_486 : i32 to index
      %swap3A_488 = tpu.vector_load %arg6[%swap3A_487] {strides = array<i32>} : memref<128xf32, #tpu.memory_space<vmem>>, vector<16xf32>,
      tpu.vector_store %arg6[%swap3A_487], %scan3A_459#6 {strides = array<i32>} : memref<128xf32, #tpu.memory_space<vmem>>, vector<16xf32>,
      %add3A_489 = arith.constant 112 : i32
      %add3A_490 = arith.addi %mul3A_404, %add3A_489 : i32
      %swap3A_491 = arith.index_cast %add3A_490 : i32 to index
      %swap3A_492 = tpu.vector_load %arg6[%swap3A_491] {strides = array<i32>} : memref<128xf32, #tpu.memory_space<vmem>>, vector<16xf32>,
      tpu.vector_store %arg6[%swap3A_491], %scan3A_459#7 {strides = array<i32>} : memref<128xf32, #tpu.memory_space<vmem>>, vector<16xf32>,
      %scan3A_493 = arith.constant 0 : i32
      scf.yield %scan3A_493 : i32
    }
    %scan3A_31 = arith.constant 2 : i32
    %add3A_32 = arith.constant 0 : i32
    %add3A_33 = arith.addi %add3A_4, %add3A_32 : i32
    %dma_wait3A = arith.constant 800 : i32
    %dma_wait3A_34 = tpu.memref_slice %arg2[%dma_wait3A, %add3A_33] : memref<1000x16384xf32, #tpu.memory_space<hbm>> -> memref<200x128xf32, #tpu.memory_space<hbm>>
    %dma_wait3A_35 = arith.constant 800 : i32
    %dma_wait3A_36 = tpu.memref_slice %arg2[%dma_wait3A_35, %add3A_33] : memref<1000x16384xf32, #tpu.memory_space<hbm>> -> memref<200x128xf32, #tpu.memory_space<hbm>>
    tpu.wait_dma2 semaphore(%arg7 : memref<!tpu.dma_semaphore, #tpu.memory_space<semaphore_mem>>) src(%dma_wait3A_36 : memref<200x128xf32, #tpu.memory_space<hbm>>) dst(%arg4 : memref<200x128xf32, #tpu.memory_space<vmem>>)
    %get3A = arith.constant 0 : index
    %get3A_37 = tpu.vector_load %arg6[%get3A] {strides = array<i32>} : memref<128xf32, #tpu.memory_space<vmem>>, vector<16xf32>,
    %get3A_38 = arith.constant 16 : index
    %get3A_39 = tpu.vector_load %arg6[%get3A_38] {strides = array<i32>} : memref<128xf32, #tpu.memory_space<vmem>>, vector<16xf32>,
    %get3A_40 = arith.constant 32 : index
    %get3A_41 = tpu.vector_load %arg6[%get3A_40] {strides = array<i32>} : memref<128xf32, #tpu.memory_space<vmem>>, vector<16xf32>,
    %get3A_42 = arith.constant 48 : index
    %get3A_43 = tpu.vector_load %arg6[%get3A_42] {strides = array<i32>} : memref<128xf32, #tpu.memory_space<vmem>>, vector<16xf32>,
    %get3A_44 = arith.constant 64 : index
    %get3A_45 = tpu.vector_load %arg6[%get3A_44] {strides = array<i32>} : memref<128xf32, #tpu.memory_space<vmem>>, vector<16xf32>,
    %get3A_46 = arith.constant 80 : index
    %get3A_47 = tpu.vector_load %arg6[%get3A_46] {strides = array<i32>} : memref<128xf32, #tpu.memory_space<vmem>>, vector<16xf32>,
    %get3A_48 = arith.constant 96 : index
    %get3A_49 = tpu.vector_load %arg6[%get3A_48] {strides = array<i32>} : memref<128xf32, #tpu.memory_space<vmem>>, vector<16xf32>,
    %get3A_50 = arith.constant 112 : index
    %get3A_51 = tpu.vector_load %arg6[%get3A_50] {strides = array<i32>} : memref<128xf32, #tpu.memory_space<vmem>>, vector<16xf32>,
    %scan3A_52 = arith.constant 0 : i32
    %scan3A_53 = arith.constant 100 : i32
    %scan3A_54 = arith.addi %scan3A_52, %scan3A_53 : i32
    %scan3A_55 = arith.constant 1 : i32
    %scan3A_56:8 = scf.for %scan3A_76 = %scan3A_52 to %scan3A_54 step %scan3A_55 iter_args(%scan3A_77 = %get3A_37, %scan3A_78 = %get3A_39, %scan3A_79 = %get3A_41, %scan3A_80 = %get3A_43, %scan3A_81 = %get3A_45, %scan3A_82 = %get3A_47, %scan3A_83 = %get3A_49, %scan3A_84 = %get3A_51) -> (vector<16xf32>, vector<16xf32>, vector<16xf32>, vector<16xf32>, vector<16xf32>, vector<16xf32>, vector<16xf32>, vector<16xf32>)  : i32 {
      %mul3A_85 = arith.constant 2 : i32
      %mul3A_86 = arith.muli %mul3A_85, %scan3A_76 : i32
      %add3A_87 = arith.constant 800 : i32
      %add3A_88 = arith.addi %add3A_87, %mul3A_86 : i32
      %add3A_89 = arith.constant 0 : i32
      %add3A_90 = arith.addi %add3A_88, %add3A_89 : i32
      %convert_element_type3A = arith.sitofp %add3A_90 : i32 to f32
      %mul3A_91 = arith.constant 2 : i32
      %mul3A_92 = arith.muli %mul3A_91, %scan3A_76 : i32
      %add3A_93 = arith.constant 0 : i32
      %add3A_94 = arith.addi %mul3A_92, %add3A_93 : i32
      %get3A_95 = arith.index_cast %add3A_94 : i32 to index
      %get3A_96 = arith.constant 0 : index
      %get3A_97 = tpu.vector_load %arg4[%get3A_95, %get3A_96] {strides = array<i32>} : memref<200x128xf32, #tpu.memory_space<vmem>>, vector<16xf32>,
      %mul3A_98 = vector.broadcast %convert_element_type3A : f32 to vector<16xf32>
      %mul3A_99 = arith.mulf %get3A_97, %mul3A_98 : vector<16xf32>
      %add3A_100 = arith.addf %scan3A_77, %mul3A_99 : vector<16xf32>
      %mul3A_101 = arith.constant 2 : i32
      %mul3A_102 = arith.muli %mul3A_101, %scan3A_76 : i32
      %add3A_103 = arith.constant 0 : i32
      %add3A_104 = arith.addi %mul3A_102, %add3A_103 : i32
      %get3A_105 = arith.index_cast %add3A_104 : i32 to index
      %get3A_106 = arith.constant 16 : index
      %get3A_107 = tpu.vector_load %arg4[%get3A_105, %get3A_106] {strides = array<i32>} : memref<200x128xf32, #tpu.memory_space<vmem>>, vector<16xf32>,
      %mul3A_108 = vector.broadcast %convert_element_type3A : f32 to vector<16xf32>
      %mul3A_109 = arith.mulf %get3A_107, %mul3A_108 : vector<16xf32>
      %add3A_110 = arith.addf %scan3A_78, %mul3A_109 : vector<16xf32>
      %mul3A_111 = arith.constant 2 : i32
      %mul3A_112 = arith.muli %mul3A_111, %scan3A_76 : i32
      %add3A_113 = arith.constant 0 : i32
      %add3A_114 = arith.addi %mul3A_112, %add3A_113 : i32
      %get3A_115 = arith.index_cast %add3A_114 : i32 to index
      %get3A_116 = arith.constant 32 : index
      %get3A_117 = tpu.vector_load %arg4[%get3A_115, %get3A_116] {strides = array<i32>} : memref<200x128xf32, #tpu.memory_space<vmem>>, vector<16xf32>,
      %mul3A_118 = vector.broadcast %convert_element_type3A : f32 to vector<16xf32>
      %mul3A_119 = arith.mulf %get3A_117, %mul3A_118 : vector<16xf32>
      %add3A_120 = arith.addf %scan3A_79, %mul3A_119 : vector<16xf32>
      %mul3A_121 = arith.constant 2 : i32
      %mul3A_122 = arith.muli %mul3A_121, %scan3A_76 : i32
      %add3A_123 = arith.constant 0 : i32
      %add3A_124 = arith.addi %mul3A_122, %add3A_123 : i32
      %get3A_125 = arith.index_cast %add3A_124 : i32 to index
      %get3A_126 = arith.constant 48 : index
      %get3A_127 = tpu.vector_load %arg4[%get3A_125, %get3A_126] {strides = array<i32>} : memref<200x128xf32, #tpu.memory_space<vmem>>, vector<16xf32>,
      %mul3A_128 = vector.broadcast %convert_element_type3A : f32 to vector<16xf32>
      %mul3A_129 = arith.mulf %get3A_127, %mul3A_128 : vector<16xf32>
      %add3A_130 = arith.addf %scan3A_80, %mul3A_129 : vector<16xf32>
      %mul3A_131 = arith.constant 2 : i32
      %mul3A_132 = arith.muli %mul3A_131, %scan3A_76 : i32
      %add3A_133 = arith.constant 0 : i32
      %add3A_134 = arith.addi %mul3A_132, %add3A_133 : i32
      %get3A_135 = arith.index_cast %add3A_134 : i32 to index
      %get3A_136 = arith.constant 64 : index
      %get3A_137 = tpu.vector_load %arg4[%get3A_135, %get3A_136] {strides = array<i32>} : memref<200x128xf32, #tpu.memory_space<vmem>>, vector<16xf32>,
      %mul3A_138 = vector.broadcast %convert_element_type3A : f32 to vector<16xf32>
      %mul3A_139 = arith.mulf %get3A_137, %mul3A_138 : vector<16xf32>
      %add3A_140 = arith.addf %scan3A_81, %mul3A_139 : vector<16xf32>
      %mul3A_141 = arith.constant 2 : i32
      %mul3A_142 = arith.muli %mul3A_141, %scan3A_76 : i32
      %add3A_143 = arith.constant 0 : i32
      %add3A_144 = arith.addi %mul3A_142, %add3A_143 : i32
      %get3A_145 = arith.index_cast %add3A_144 : i32 to index
      %get3A_146 = arith.constant 80 : index
      %get3A_147 = tpu.vector_load %arg4[%get3A_145, %get3A_146] {strides = array<i32>} : memref<200x128xf32, #tpu.memory_space<vmem>>, vector<16xf32>,
      %mul3A_148 = vector.broadcast %convert_element_type3A : f32 to vector<16xf32>
      %mul3A_149 = arith.mulf %get3A_147, %mul3A_148 : vector<16xf32>
      %add3A_150 = arith.addf %scan3A_82, %mul3A_149 : vector<16xf32>
      %mul3A_151 = arith.constant 2 : i32
      %mul3A_152 = arith.muli %mul3A_151, %scan3A_76 : i32
      %add3A_153 = arith.constant 0 : i32
      %add3A_154 = arith.addi %mul3A_152, %add3A_153 : i32
      %get3A_155 = arith.index_cast %add3A_154 : i32 to index
      %get3A_156 = arith.constant 96 : index
      %get3A_157 = tpu.vector_load %arg4[%get3A_155, %get3A_156] {strides = array<i32>} : memref<200x128xf32, #tpu.memory_space<vmem>>, vector<16xf32>,
      %mul3A_158 = vector.broadcast %convert_element_type3A : f32 to vector<16xf32>
      %mul3A_159 = arith.mulf %get3A_157, %mul3A_158 : vector<16xf32>
      %add3A_160 = arith.addf %scan3A_83, %mul3A_159 : vector<16xf32>
      %mul3A_161 = arith.constant 2 : i32
      %mul3A_162 = arith.muli %mul3A_161, %scan3A_76 : i32
      %add3A_163 = arith.constant 0 : i32
      %add3A_164 = arith.addi %mul3A_162, %add3A_163 : i32
      %get3A_165 = arith.index_cast %add3A_164 : i32 to index
      %get3A_166 = arith.constant 112 : index
      %get3A_167 = tpu.vector_load %arg4[%get3A_165, %get3A_166] {strides = array<i32>} : memref<200x128xf32, #tpu.memory_space<vmem>>, vector<16xf32>,
      %mul3A_168 = vector.broadcast %convert_element_type3A : f32 to vector<16xf32>
      %mul3A_169 = arith.mulf %get3A_167, %mul3A_168 : vector<16xf32>
      %add3A_170 = arith.addf %scan3A_84, %mul3A_169 : vector<16xf32>
      %mul3A_171 = arith.constant 2 : i32
      %mul3A_172 = arith.muli %mul3A_171, %scan3A_76 : i32
      %add3A_173 = arith.constant 800 : i32
      %add3A_174 = arith.addi %add3A_173, %mul3A_172 : i32
      %add3A_175 = arith.constant 1 : i32
      %add3A_176 = arith.addi %add3A_174, %add3A_175 : i32
      %convert_element_type3A_177 = arith.sitofp %add3A_176 : i32 to f32
      %mul3A_178 = arith.constant 2 : i32
      %mul3A_179 = arith.muli %mul3A_178, %scan3A_76 : i32
      %add3A_180 = arith.constant 1 : i32
      %add3A_181 = arith.addi %mul3A_179, %add3A_180 : i32
      %get3A_182 = arith.index_cast %add3A_181 : i32 to index
      %get3A_183 = arith.constant 0 : index
      %get3A_184 = tpu.vector_load %arg4[%get3A_182, %get3A_183] {strides = array<i32>} : memref<200x128xf32, #tpu.memory_space<vmem>>, vector<16xf32>,
      %mul3A_185 = vector.broadcast %convert_element_type3A_177 : f32 to vector<16xf32>
      %mul3A_186 = arith.mulf %get3A_184, %mul3A_185 : vector<16xf32>
      %add3A_187 = arith.addf %add3A_100, %mul3A_186 : vector<16xf32>
      %mul3A_188 = arith.constant 2 : i32
      %mul3A_189 = arith.muli %mul3A_188, %scan3A_76 : i32
      %add3A_190 = arith.constant 1 : i32
      %add3A_191 = arith.addi %mul3A_189, %add3A_190 : i32
      %get3A_192 = arith.index_cast %add3A_191 : i32 to index
      %get3A_193 = arith.constant 16 : index
      %get3A_194 = tpu.vector_load %arg4[%get3A_192, %get3A_193] {strides = array<i32>} : memref<200x128xf32, #tpu.memory_space<vmem>>, vector<16xf32>,
      %mul3A_195 = vector.broadcast %convert_element_type3A_177 : f32 to vector<16xf32>
      %mul3A_196 = arith.mulf %get3A_194, %mul3A_195 : vector<16xf32>
      %add3A_197 = arith.addf %add3A_110, %mul3A_196 : vector<16xf32>
      %mul3A_198 = arith.constant 2 : i32
      %mul3A_199 = arith.muli %mul3A_198, %scan3A_76 : i32
      %add3A_200 = arith.constant 1 : i32
      %add3A_201 = arith.addi %mul3A_199, %add3A_200 : i32
      %get3A_202 = arith.index_cast %add3A_201 : i32 to index
      %get3A_203 = arith.constant 32 : index
      %get3A_204 = tpu.vector_load %arg4[%get3A_202, %get3A_203] {strides = array<i32>} : memref<200x128xf32, #tpu.memory_space<vmem>>, vector<16xf32>,
      %mul3A_205 = vector.broadcast %convert_element_type3A_177 : f32 to vector<16xf32>
      %mul3A_206 = arith.mulf %get3A_204, %mul3A_205 : vector<16xf32>
      %add3A_207 = arith.addf %add3A_120, %mul3A_206 : vector<16xf32>
      %mul3A_208 = arith.constant 2 : i32
      %mul3A_209 = arith.muli %mul3A_208, %scan3A_76 : i32
      %add3A_210 = arith.constant 1 : i32
      %add3A_211 = arith.addi %mul3A_209, %add3A_210 : i32
      %get3A_212 = arith.index_cast %add3A_211 : i32 to index
      %get3A_213 = arith.constant 48 : index
      %get3A_214 = tpu.vector_load %arg4[%get3A_212, %get3A_213] {strides = array<i32>} : memref<200x128xf32, #tpu.memory_space<vmem>>, vector<16xf32>,
      %mul3A_215 = vector.broadcast %convert_element_type3A_177 : f32 to vector<16xf32>
      %mul3A_216 = arith.mulf %get3A_214, %mul3A_215 : vector<16xf32>
      %add3A_217 = arith.addf %add3A_130, %mul3A_216 : vector<16xf32>
      %mul3A_218 = arith.constant 2 : i32
      %mul3A_219 = arith.muli %mul3A_218, %scan3A_76 : i32
      %add3A_220 = arith.constant 1 : i32
      %add3A_221 = arith.addi %mul3A_219, %add3A_220 : i32
      %get3A_222 = arith.index_cast %add3A_221 : i32 to index
      %get3A_223 = arith.constant 64 : index
      %get3A_224 = tpu.vector_load %arg4[%get3A_222, %get3A_223] {strides = array<i32>} : memref<200x128xf32, #tpu.memory_space<vmem>>, vector<16xf32>,
      %mul3A_225 = vector.broadcast %convert_element_type3A_177 : f32 to vector<16xf32>
      %mul3A_226 = arith.mulf %get3A_224, %mul3A_225 : vector<16xf32>
      %add3A_227 = arith.addf %add3A_140, %mul3A_226 : vector<16xf32>
      %mul3A_228 = arith.constant 2 : i32
      %mul3A_229 = arith.muli %mul3A_228, %scan3A_76 : i32
      %add3A_230 = arith.constant 1 : i32
      %add3A_231 = arith.addi %mul3A_229, %add3A_230 : i32
      %get3A_232 = arith.index_cast %add3A_231 : i32 to index
      %get3A_233 = arith.constant 80 : index
      %get3A_234 = tpu.vector_load %arg4[%get3A_232, %get3A_233] {strides = array<i32>} : memref<200x128xf32, #tpu.memory_space<vmem>>, vector<16xf32>,
      %mul3A_235 = vector.broadcast %convert_element_type3A_177 : f32 to vector<16xf32>
      %mul3A_236 = arith.mulf %get3A_234, %mul3A_235 : vector<16xf32>
      %add3A_237 = arith.addf %add3A_150, %mul3A_236 : vector<16xf32>
      %mul3A_238 = arith.constant 2 : i32
      %mul3A_239 = arith.muli %mul3A_238, %scan3A_76 : i32
      %add3A_240 = arith.constant 1 : i32
      %add3A_241 = arith.addi %mul3A_239, %add3A_240 : i32
      %get3A_242 = arith.index_cast %add3A_241 : i32 to index
      %get3A_243 = arith.constant 96 : index
      %get3A_244 = tpu.vector_load %arg4[%get3A_242, %get3A_243] {strides = array<i32>} : memref<200x128xf32, #tpu.memory_space<vmem>>, vector<16xf32>,
      %mul3A_245 = vector.broadcast %convert_element_type3A_177 : f32 to vector<16xf32>
      %mul3A_246 = arith.mulf %get3A_244, %mul3A_245 : vector<16xf32>
      %add3A_247 = arith.addf %add3A_160, %mul3A_246 : vector<16xf32>
      %mul3A_248 = arith.constant 2 : i32
      %mul3A_249 = arith.muli %mul3A_248, %scan3A_76 : i32
      %add3A_250 = arith.constant 1 : i32
      %add3A_251 = arith.addi %mul3A_249, %add3A_250 : i32
      %get3A_252 = arith.index_cast %add3A_251 : i32 to index
      %get3A_253 = arith.constant 112 : index
      %get3A_254 = tpu.vector_load %arg4[%get3A_252, %get3A_253] {strides = array<i32>} : memref<200x128xf32, #tpu.memory_space<vmem>>, vector<16xf32>,
      %mul3A_255 = vector.broadcast %convert_element_type3A_177 : f32 to vector<16xf32>
      %mul3A_256 = arith.mulf %get3A_254, %mul3A_255 : vector<16xf32>
      %add3A_257 = arith.addf %add3A_170, %mul3A_256 : vector<16xf32>
      scf.yield %add3A_187, %add3A_197, %add3A_207, %add3A_217, %add3A_227, %add3A_237, %add3A_247, %add3A_257 : vector<16xf32>, vector<16xf32>, vector<16xf32>, vector<16xf32>, vector<16xf32>, vector<16xf32>, vector<16xf32>, vector<16xf32>
    }
    %scan3A_57 = arith.constant 100 : i32
    %swap3A_58 = arith.constant 0 : index
    %swap3A_59 = tpu.vector_load %arg6[%swap3A_58] {strides = array<i32>} : memref<128xf32, #tpu.memory_space<vmem>>, vector<16xf32>,
    tpu.vector_store %arg6[%swap3A_58], %scan3A_56#0 {strides = array<i32>} : memref<128xf32, #tpu.memory_space<vmem>>, vector<16xf32>,
    %swap3A_60 = arith.constant 16 : index
    %swap3A_61 = tpu.vector_load %arg6[%swap3A_60] {strides = array<i32>} : memref<128xf32, #tpu.memory_space<vmem>>, vector<16xf32>,
    tpu.vector_store %arg6[%swap3A_60], %scan3A_56#1 {strides = array<i32>} : memref<128xf32, #tpu.memory_space<vmem>>, vector<16xf32>,
    %swap3A_62 = arith.constant 32 : index
    %swap3A_63 = tpu.vector_load %arg6[%swap3A_62] {strides = array<i32>} : memref<128xf32, #tpu.memory_space<vmem>>, vector<16xf32>,
    tpu.vector_store %arg6[%swap3A_62], %scan3A_56#2 {strides = array<i32>} : memref<128xf32, #tpu.memory_space<vmem>>, vector<16xf32>,
    %swap3A_64 = arith.constant 48 : index
    %swap3A_65 = tpu.vector_load %arg6[%swap3A_64] {strides = array<i32>} : memref<128xf32, #tpu.memory_space<vmem>>, vector<16xf32>,
    tpu.vector_store %arg6[%swap3A_64], %scan3A_56#3 {strides = array<i32>} : memref<128xf32, #tpu.memory_space<vmem>>, vector<16xf32>,
    %swap3A_66 = arith.constant 64 : index
    %swap3A_67 = tpu.vector_load %arg6[%swap3A_66] {strides = array<i32>} : memref<128xf32, #tpu.memory_space<vmem>>, vector<16xf32>,
    tpu.vector_store %arg6[%swap3A_66], %scan3A_56#4 {strides = array<i32>} : memref<128xf32, #tpu.memory_space<vmem>>, vector<16xf32>,
    %swap3A_68 = arith.constant 80 : index
    %swap3A_69 = tpu.vector_load %arg6[%swap3A_68] {strides = array<i32>} : memref<128xf32, #tpu.memory_space<vmem>>, vector<16xf32>,
    tpu.vector_store %arg6[%swap3A_68], %scan3A_56#5 {strides = array<i32>} : memref<128xf32, #tpu.memory_space<vmem>>, vector<16xf32>,
    %swap3A_70 = arith.constant 96 : index
    %swap3A_71 = tpu.vector_load %arg6[%swap3A_70] {strides = array<i32>} : memref<128xf32, #tpu.memory_space<vmem>>, vector<16xf32>,
    tpu.vector_store %arg6[%swap3A_70], %scan3A_56#6 {strides = array<i32>} : memref<128xf32, #tpu.memory_space<vmem>>, vector<16xf32>,
    %swap3A_72 = arith.constant 112 : index
    %swap3A_73 = tpu.vector_load %arg6[%swap3A_72] {strides = array<i32>} : memref<128xf32, #tpu.memory_space<vmem>>, vector<16xf32>,
    tpu.vector_store %arg6[%swap3A_72], %scan3A_56#7 {strides = array<i32>} : memref<128xf32, #tpu.memory_space<vmem>>, vector<16xf32>,
    %mul3A_74 = arith.constant 128 : i32
    %mul3A_75 = arith.muli %add3A, %mul3A_74 : i32
    "tpu.region"() ({
      %run_scoped3A = tpu.sem_alloc : memref<!tpu.dma_semaphore, #tpu.memory_space<semaphore_mem>>
      %dma_start3A_76 = tpu.memref_slice %arg3[%mul3A_75] : memref<4096xf32, #tpu.memory_space<hbm>> -> memref<128xf32, #tpu.memory_space<hbm>>
      %dma_start3A_77 = tpu.memref_slice %arg3[%mul3A_75] : memref<4096xf32, #tpu.memory_space<hbm>> -> memref<128xf32, #tpu.memory_space<hbm>>
      tpu.enqueue_dma source(%arg6 : memref<128xf32, #tpu.memory_space<vmem>>) target(%dma_start3A_77 : memref<128xf32, #tpu.memory_space<hbm>>) target_semaphore(%run_scoped3A : memref<!tpu.dma_semaphore, #tpu.memory_space<semaphore_mem>>)
      %dma_wait3A_78 = tpu.memref_slice %arg3[%mul3A_75] : memref<4096xf32, #tpu.memory_space<hbm>> -> memref<128xf32, #tpu.memory_space<hbm>>
      %dma_wait3A_79 = tpu.memref_slice %arg3[%mul3A_75] : memref<4096xf32, #tpu.memory_space<hbm>> -> memref<128xf32, #tpu.memory_space<hbm>>
      tpu.wait_dma2 semaphore(%run_scoped3A : memref<!tpu.dma_semaphore, #tpu.memory_space<semaphore_mem>>) src(%arg6 : memref<128xf32, #tpu.memory_space<vmem>>) dst(%dma_wait3A_79 : memref<128xf32, #tpu.memory_space<hbm>>)
      tpu.yield
    }) : () -> ()
    return
  }
}

module attributes {stable_mosaic.version = 14 : i64} {
  func.func @_tc_body(%arg0: i32, %arg1: memref<1000x2048xf32, #tpu.memory_space<vmem>>, %arg2: memref<2048xf32, #tpu.memory_space<vmem>>) attributes {dimension_semantics = [#tpu.dimension_semantics<parallel>], iteration_bounds = array<i64: 6>, scalar_prefetch = 0 : i64, scratch_operands = 0 : i64, tpu.core_type = #tpu.core_type<tc>, window_params = [{transform_indices = @transform_0, window_bounds = array<i64: 1000, 2048>}, {transform_indices = @transform_1, window_bounds = array<i64: 2048>}]} {
    %iota3A = tpu.iota {dimensions = array<i32: 0>} : vector<1000x1xi32>
    %convert_element_type3A = arith.sitofp %iota3A : vector<1000x1xi32> to vector<1000x1xf32>
    %get3A = arith.constant 0 : index
    %get3A_0 = arith.constant 0 : index
    %get3A_1 = vector.load %arg1[%get3A, %get3A_0] : memref<1000x2048xf32, #tpu.memory_space<vmem>>, vector<1000x2048xf32>
    %mul3A = vector.broadcast %convert_element_type3A : vector<1000x1xf32> to vector<1000x2048xf32>
    %mul3A_2 = arith.mulf %get3A_1, %mul3A : vector<1000x2048xf32>
    %reduce_sum3A = arith.constant dense<0.000000e+00> : vector<2048xf32>
    %reduce_sum3A_3 = vector.multi_reduction <add>, %mul3A_2, %reduce_sum3A [0] : vector<1000x2048xf32> to vector<2048xf32>
    %swap3A = arith.constant 0 : index
    %swap3A_4 = vector.load %arg2[%swap3A] : memref<2048xf32, #tpu.memory_space<vmem>>, vector<2048xf32>
    tpu.vector_store %arg2[%swap3A], %reduce_sum3A_3 {strides = array<i32>} : memref<2048xf32, #tpu.memory_space<vmem>>, vector<2048xf32>,
    return
  }
  func.func @transform_0(%arg0: i32) -> (i32, i32) {
    %c0_i32 = arith.constant 0 : i32
    %c0_i32_0 = arith.constant 0 : i32
    return %c0_i32, %arg0 : i32, i32
  }
  func.func @transform_1(%arg0: i32) -> i32 {
    %c0_i32 = arith.constant 0 : i32
    return %arg0 : i32
  }
}

</mosaic_0001>

<sc_bundles>
// kernel: kernel.4.cloned.1.call-start
scs
__scs_entry_jumppad:
0x0: {  	(pc) =	sbr.rel $0x88, $3  }
0x1: {  	(tag) =	ssettag $0x0;
	lr =	simm.s32 $0x1  }
0x2: {  	[smem:$0x3FA0] =	sst lr;
	_ =	strace $0xD0000000  }
0x3: {  	_ = 	snop  }
0x4: {  	_ = 	snop  }
0x5: {  	_ = 	snop  }
0x6: {  	_ = 	snop  }
0x7: {  	_ = 	snop  }
__scs_overlays_trampoline_lowered:
0x8: {  	[smem:$0x3FAF] =	sst s0  }
0x9: {  	[smem:$0x3FB0] =	sst s1  }
0xa: {  	[smem:$0x3FB1] =	sst s2  }
0xb: {  	[smem:$0x3FB2] =	sst s3  }
0xc: {  	[smem:$0x3FB3] =	sst s4  }
0xd: {  	[smem:$0x3FB4] =	sst s5  }
0xe: {  	[smem:$0x3FB5] =	sst s6  }
0xf: {  	[smem:$0x3FB6] =	sst s7  }
0x10: {  	[smem:$0x3FB7] =	sst s8  }
0x11: {  	[smem:$0x3FB8] =	sst s9;
	s0 =	simm.s32 @!p0 $0x0  }
0x12: {  	s1 =	sld [smem:$0x3F9E];
	s0 =	simm.s32 @p0 $0x1  }
0x13: {  	[smem:$0x3FB9] =	sst s0;
	s0 =	simm.s32 @!p1 $0x0  }
0x14: {  	s2 =	sld [smem:$0x3F9D];
	s0 =	simm.s32 @p1 $0x1  }
0x15: {  	[smem:$0x3FBA] =	sst s0;
	s0 =	simm.s32 @!p2 $0x0  }
0x16: {  	s3 =	sld [smem:$0x3FDB];
	s0 =	simm.s32 @p2 $0x1  }
0x17: {  	s4 =	simm.s32 $0x1BF5;
	[smem:$0x3FBC] =	sst s0  }
0x18: {  	s0 =	sld [smem:$0x3F9F];
	_ =	swait.ge [sflag:s4], $0x0  }
0x19: {  	s7 =	sld [smem:$0x3FA0]  }
0x1a: {  	s8 =	sadd.s32 $0xFFFFE003, lr  }
0x1b: {  	s9 =	sadd.s32 $0xFFFFFEF7, lr;
	s5 =	simm.s32 $0xFFFFFFFF;
	p2 =	slt.u32 s8, $0xFFFFF086  }
0x1c: {  	p1 =	slt.u32 s9, $0xF7A;
	s5 =	simm.s32 @!p2 $0x0  }
0x1d: {  	s5 =	simm.s32 @p1 $0x1;
	p0 =	seq.s32 s7, s2  }
0x1e: {  	s7 =	smul.u32 @!p0 $0xF7A, s2;
	p2 =	seq.s32 @!p0 s5, $0x0  }
0x1f: {  	s9 =	smul.u32 $0xF7A, s1;
	s8 =	simm.s32 @!p0 $0x1BF5;
	p2 =	por !p2, p0  }
0x20: {  	[sflag:s8] =	ssyncset.s32 @!p0 $0xFFFFF086;
	s6 =	sadd.s32 @!p0 s3, s7;
	s7 =	simm.s32 @!p0 $0x108  }
0x21: {  	s3 =	sadd.s32 s3, s9;
	s6 =	sadd.s32 @!p0 $0x88, s6;
	s7 =	simm.s32 @p2 $0x1082  }
0x22: {  	[simem:s7], [sflag:s8] =	dma.local @!p0 [hbm:s6], $0xF7A  }
0x23: {  	s9 =	sor.u32 $0xD0000000, s2;
	s6 =	simm.s32 $0x108;
	_ =	swait.ge @!p0 [sflag:s8], $0x0  }
0x24: {  	s3 =	sadd.s32 $0x88, s3;
	s6 =	simm.s32 @!p1 $0x1082;
	[sflag:s4] =	ssyncset.s32 $0xFFFFF086  }
0x25: {  	[simem:s6], [sflag:s4] =	dma.local [hbm:s3], $0xF7A  }
0x26: {  	[smem:$0x3FA0] =	sst s1;
	(tag) =	ssettag s2;
	_ =	strace s9  }
0x27: {  	s1 =	sld [smem:$0x3FB0]  }
0x28: {  	s2 =	sld [smem:$0x3FB1]  }
0x29: {  	s4 =	sld [smem:$0x3FB3]  }
0x2a: {  	p0 =	seq.s32 s5, $0x0;
	s5 =	sld [smem:$0x3FB4]  }
0x2b: {  	s6 =	sld [smem:$0x3FB5]  }
0x2c: {  	s7 =	sld [smem:$0x3FB6]  }
0x2d: {  	s3 =	simm.s32 $0x108;
	s8 =	sld [smem:$0x3FB7]  }
0x2e: {  	s3 =	simm.s32 @!p0 $0x1082;
	s9 =	sld [smem:$0x3FB8]  }
0x2f: {  	lr =	sadd.s32 s0, s3;
	s0 =	sld [smem:$0x3FAF]  }
0x30: {  	s3 =	sld [smem:$0x3FB2]  }
0x31: {  	[smem:$0x3FBB] =	sst s10  }
0x32: {  	s10 =	sld [smem:$0x3FB9];
	_ =	sdelay $0x3  }
0x33: {  	p0 =	seq.s32 s10, $0x1;
	s10 =	sld [smem:$0x3FBB];
	_ =	sdelay $0x3  }
0x34: {  	[smem:$0x3FBB] =	sst s10  }
0x35: {  	s10 =	sld [smem:$0x3FBA];
	_ =	sdelay $0x3  }
0x36: {  	p1 =	seq.s32 s10, $0x1;
	s10 =	sld [smem:$0x3FBB];
	_ =	sdelay $0x3  }
0x37: {  	[smem:$0x3FBB] =	sst s10  }
0x38: {  	s10 =	sld [smem:$0x3FBC]  }
0x39: {  	_ = 	snop;
	(pc) =	sbr.ind lr, $3  }
0x3a: {  	_ = 	snop  }
0x3b: {  	_ = 	snop  }
0x3c: {  	p2 =	seq.s32 s10, $0x1;
	s10 =	sld [smem:$0x3FBB]  }
0x3d: {  	_ =	shalt  }
0x3e: {  	_ =	shalt  }
0x3f: {  	_ =	shalt  }
0x40: {  	_ =	shalt  }
0x41: {  	_ =	shalt  }
0x42: {  	_ =	shalt  }
0x43: {  	_ =	shalt  }
0x44: {  	_ =	shalt  }
0x45: {  	_ =	shalt  }
0x46: {  	_ =	shalt  }
0x47: {  	_ =	shalt  }
0x48: {  	_ =	shalt  }
0x49: {  	_ =	shalt  }
0x4a: {  	_ =	shalt  }
0x4b: {  	_ =	shalt  }
0x4c: {  	_ =	shalt  }
0x4d: {  	_ =	shalt  }
0x4e: {  	_ =	shalt  }
0x4f: {  	_ =	shalt  }
0x50: {  	_ =	shalt  }
0x51: {  	_ =	shalt  }
0x52: {  	_ =	shalt  }
0x53: {  	_ =	shalt  }
0x54: {  	_ =	shalt  }
0x55: {  	_ =	shalt  }
0x56: {  	_ =	shalt  }
0x57: {  	_ =	shalt  }
0x58: {  	_ =	shalt  }
0x59: {  	_ =	shalt  }
0x5a: {  	_ =	shalt  }
0x5b: {  	_ =	shalt  }
0x5c: {  	_ =	shalt  }
0x5d: {  	_ =	shalt  }
0x5e: {  	_ =	shalt  }
0x5f: {  	_ =	shalt  }
0x60: {  	_ =	shalt  }
0x61: {  	_ =	shalt  }
0x62: {  	_ =	shalt  }
0x63: {  	_ =	shalt  }
0x64: {  	_ =	shalt  }
0x65: {  	_ =	shalt  }
0x66: {  	_ =	shalt  }
0x67: {  	_ =	shalt  }
0x68: {  	_ =	shalt  }
0x69: {  	_ =	shalt  }
0x6a: {  	_ =	shalt  }
0x6b: {  	_ =	shalt  }
0x6c: {  	_ =	shalt  }
0x6d: {  	_ =	shalt  }
0x6e: {  	_ =	shalt  }
0x6f: {  	_ =	shalt  }
0x70: {  	_ =	shalt  }
0x71: {  	_ =	shalt  }
0x72: {  	_ =	shalt  }
0x73: {  	_ =	shalt  }
0x74: {  	_ =	shalt  }
0x75: {  	_ =	shalt  }
0x76: {  	_ =	shalt  }
0x77: {  	_ =	shalt  }
0x78: {  	_ =	shalt  }
0x79: {  	_ =	shalt  }
0x7a: {  	_ =	shalt  }
0x7b: {  	_ =	shalt  }
0x7c: {  	_ =	shalt  }
0x7d: {  	_ =	shalt  }
0x7e: {  	_ =	shalt  }
0x7f: {  	_ =	shalt  }
0x80: {  	_ =	shalt  }
0x81: {  	_ =	shalt  }
0x82: {  	_ =	shalt  }
0x83: {  	_ =	shalt  }
0x84: {  	_ =	shalt  }
0x85: {  	_ =	shalt  }
0x86: {  	_ =	shalt  }
0x87: {  	_ =	shalt  }
.Lfunc_end0:
.L_simem_size_0:
called_computation_lowered:
.L_overlay_start_0:
0x88: {  	s2 =	sld [smem:$0x3FD9]  }
0x89: {  	s3 =	sld [smem:$0x3FFE];
	_ =	sdelay $0x1  }
0x8a: {  	s1 =	srdreg.scid  }
0x8b: {  	s0 =	sand.u32 $0x1, s1  }
0x8c: {  	s17 =	sshll.u32 s0, $0xA;
	s2 =	sadd.s32 s3, s2  }
0x8d: {  	s2 =	sadd.s32 s2, s17  }
0x8e: {  	[smem:$0x3FC7] =	sst s2  }
0x8f: {  	_ = 	snop  }
0x90: {  	s2 =	sld [smem:$0x3FC9];
	(tm) =	ssettm $0x1  }
0x91: {  	s18 =	sld [smem:$0x3FFB];
	_ =	sdelay $0x3  }
0x92: {  	_ =	strace s18  }
0x93: {  	s3 =	sld [smem:$0x3FFC];
	_ =	sdelay $0x3  }
0x94: {  	_ =	strace s3  }
0x95: {  	s3 =	sld [smem:$0x3FFD];
	_ =	sdelay $0x3  }
0x96: {  	_ =	strace s3  }
0x97: {  	_ =	strace $0x8FFFFFFF  }
0x98: {  	s19 =	sld [smem:$0x3FDB];
	_ =	sdelay $0x1  }
0x99: {  	s4 =	simm.s32 $_scs_section_size  }
0x9a: {  	s5 =	simm.s32 $_size__tile_overlayer_lowered;
	s6 =	simm.s32 $_tile_overlayer_lowered  }
0x9b: {  	s22 =	simm.s32 $0x1BFF;
	s21 =	sshll.u32 s6, $0x1;
	s3 =	sadd.s32 s4, s19  }
0x9c: {  	s7 =	simm.s32 $0x0;
	s20 =	sshll.u32 s5, $0x1;
	s5 =	sadd.s32 s21, s3  }
0x9d: {  	[timem:s7], [sflag:s22] =	dma.local [hbm:s5], s20  }
0x9e: {  	_ =	swait.ge [sflag:s22], s20  }
0x9f: {  	s4 =	ssub.s32 $0x0, s20;
	[sflag:s22] =	ssyncset.done $0x0  }
0xa0: {  	[sflag:s22] =	ssyncadd.s32 s4;
	_ =	sdelay $0x1  }
0xa1: {  	s23 =	simm.s32 $0x1B8B  }
0xa2: {  	_ =	swait.ge [sflag:s23], $0x1  }
0xa3: {  	[sflag:s23] =	ssyncset.done $0x0  }
0xa4: {  	s25 =	simm.s32 $0x1B8E;
	s24 =	sld [smem:$0x3FFE];
	[sflag:s23] =	ssyncadd.s32 $0xFFFFFFFF  }
0xa5: {  	s26 =	simm.s32 $execute0_lowered;
	[smem:$0x3FD2] =	sst s25  }
0xa6: {  	s5 =	sshll.u32 s26, $0x1;
	_ =	strace $0x80000046;
	[dreg:$0x1] =	wrdreg $0xFFFFFFFF  }
0xa7: {  	s28 =	simm.s32 $_size_execute0_lowered;
	s3 =	sadd.s32 s3, s5;
	[dreg:$0x0] =	wrdreg $0x0  }
0xa8: {  	s5 =	sshll.u32 s28, $0x1;
	[dreg:$0x2] =	wrdreg s3  }
0xa9: {  	[dreg:$0x3] =	wrdreg s5  }
0xaa: {  	[dreg:$0x4] =	wrdreg $0xC0  }
0xab: {  	_ =	task [dreg:s7], $0x5FFFF  }
0xac: {  	[dreg:$0x1] =	wrdreg $0xFFFFFFFF  }
0xad: {  	[dreg:$0x0] =	wrdreg $0x60  }
0xae: {  	[dreg:$0x2] =	wrdreg s2  }
0xaf: {  	[dreg:$0x3] =	wrdreg s24  }
0xb0: {  	[dreg:$0x4] =	wrdreg $0x9  }
0xb1: {  	_ =	task.clear_ibuf [dreg:s7], $0x5FFFF;
	_ =	strace $0x90000046  }
0xb2: {  	s29 =	simm.s32 $0x9;
	_ =	strace $0x80000048  }
0xb3: {  	_ =	swait.ge [sflag:s29], $0x1  }
0xb4: {  	[sflag:s29] =	ssyncadd.s32 $0xFFFFFFFF  }
0xb5: {  	_ =	strace $0x90000048  }
0xb6: {  	_ =	sfence  }
0xb7: {  	s30 =	sld [smem:$0x0];
	_ =	sdelay $0x2  }
0xb8: {  	s31 =	sshll.u32 s1, $0xD;
	s1 =	sshrl.u32 s1, $0x2  }
0xb9: {  	s3 =	sand.u32 $0x4000, s31;
	s1 =	sadd.s32 s1, s30  }
0xba: {  	s0 =	sor.u32 s3, s0;
	s1 =	sshll.u32 s1, $0x11  }
0xbb: {  	s0 =	sor.u32 s1, s0  }
0xbc: {  	s0 =	sadd.s32 $0x8F2B, s0  }
0xbd: {  	[sflag:s0] =	ssyncadd.remote.s32 $0x1  }
0xbe: {  	_ =	sfence.sel $0xFFFF  }
0xbf: {  	[dreg:$0x0] =	wrdreg $0xFFFFFFFF;
	(pc) =	sbr.abs _section_cstart, $3  }
0xc0: {  	[dreg:$0x1] =	wrdreg $0xFFFFFFFF  }
0xc1: {  	_ =	task.clear_ibuf [dreg:s7], $0x2FFFF;
	_ =	strace $0x9FFFFFFF  }
0xc2: {  	(tm) =	ssettm $0x7FFFFFFF  }
0xc3: {  	_ =	shalt  }
tec
execute0_lowered:
.L_overlay_start_1:
0x0: {  	(tag) =	ssettag $0x1  }
0x1: {  	s3 =	rddreg [dreg:$0x0]  }
0x2: {  	s4 =	rddreg [dreg:$0x1];
	s2 =	srdreg.scid  }
0x3: {  	s0 =	rddreg [dreg:$0x2];
	s1 =	stileid.u32;
	s9 =	simm.s32 $0x6400  }
0x4: {  	s10 =	simm.s32 $0x1;
	s11 =	simm.s32 $0x2;
	s12 =	simm.s32 $0xC800  }
0x5: {  	s13 =	simm.s32 $0x3;
	s14 =	simm.s32 $0x0;
	s5 =	sand.u32 $0x1, s2  }
0x6: {  	s2 =	simm.s32 $0x0;
	s6 =	sshll.u32 s1, $0x8;
	s7 =	sshll.u32 s5, $0x7  }
0x7: {  	[smem:$0x7FF] =	sst s2;
	s5 =	ssub.s32 $0x2, s5;
	s6 =	sor.u32 s7, s6  }
0x8: {  	_ =	strace $0x80000047;
	s8 =	sshrl.u32 s5, $0x1;
	s7 =	sshrl.u32 s6, $0x3  }
0x9: {  	s5 =	ssub.s32 s5, s8;
	s6 =	sadd.s32 s6, s3;
	s8 =	simm.s32 $0x20000  }
0xa: {  	s4 =	sadd.s32 s7, s4;
	s3 =	sadd.s32 $0x3000, s6;
	s5 =	smax.u32 s5, $0x1  }
0xb: {  	v0 =	vimm.f32 $0.0e+00;
	s6 =	sadd.s32 $0xCB000, s6;
	s7 =	simm.s32 $0x400;
	s4 =	sadd.s32 $0x400, s4  }
.LBB2_1:
0xc: {  	[tilespmem:$0xC800] =	vst v0  }
0xd: {  	[tilespmem:$0xC810] =	vst v0  }
0xe: {  	[tilespmem:$0xC820] =	vst v0  }
0xf: {  	[tilespmem:$0xC830] =	vst v0  }
0x10: {  	[tilespmem:$0xC840] =	vst v0  }
0x11: {  	[tilespmem:$0xC850] =	vst v0  }
0x12: {  	[tilespmem:$0xC860] =	vst v0  }
0x13: {  	[tilespmem:$0xC870] =	vst v0;
	p1 =	por $0x1, $0x1;
	s16 =	simm.s32 $0x0  }
0x14: {  	[tilespmem:s2], [sflag:$0x1] =	stream.strided.gather [hbm4b:s3+s7], $0x6400, s8, s7, $0x38;
	[tilespmem:$0xC880] =	vst v63  }
.LBB2_2:
0x15: {  	s15 =	sshllo.u32 s16, $0x1  }
0x16: {  	s15 =	smul.u32 $0x64000, s15;
	_ =	sdelay $0x1  }
0x17: {  	s15 =	sadd.s32 s15, s3  }
0x18: {  	[tilespmem:s9], [sflag:$0x2] =	stream.strided.gather [hbm4b:s15+s7], $0x6400, s8, s7, $0x38;
	[tilespmem:$0xC880] =	vst v63  }
0x19: {  	_ =	swait.ge [sflag:s10], $0x6400  }
0x1a: {  	[sflag:s10] =	ssyncset.done $0x0  }
0x1b: {  	[sflag:s10] =	ssyncadd.s32 $0xFFFF9C00  }
0x1c: {  	v8 =	vld [tilespmem:$0xC800]  }
0x1d: {  	v7 =	vld [tilespmem:$0xC810]  }
0x1e: {  	v6 =	vld [tilespmem:$0xC820]  }
0x1f: {  	v5 =	vld [tilespmem:$0xC830]  }
0x20: {  	v4 =	vld [tilespmem:$0xC840]  }
0x21: {  	v3 =	vld [tilespmem:$0xC850]  }
0x22: {  	v2 =	vld [tilespmem:$0xC860]  }
0x23: {  	s17 =	simm.s32 $0x80;
	v1 =	vld [tilespmem:$0xC870]  }
0x24: {  	v9 =	vld [tilespmem:s17+$0x0]  }
0x25: {  	v10 =	vld [tilespmem:s17+$0x10]  }
0x26: {  	v11 =	vld [tilespmem:s17+$0x20]  }
0x27: {  	v16 =	vld [tilespmem:s17+$0x30]  }
0x28: {  	s15 =	smul.u32 $0x190, s16;
	v18 =	vld [tilespmem:s17+$0x40]  }
0x29: {  	v21 =	vld [tilespmem:s17+$0x50]  }
0x2a: {  	s19 =	sadd.s32 $0x0, s15;
	v22 =	vld [tilespmem:s17+$0xFFFFFF80]  }
0x2b: {  	s18 =	sadd.s32 $0x1, s19;
	v23 =	vld [tilespmem:s17+$0xFFFFFF90]  }
0x2c: {  	v19 =	vld [tilespmem:s17+$0xFFFFFFA0];
	s18 =	scvt.s32.f32 s18  }
0x2d: {  	v20 =	vld [tilespmem:s17+$0xFFFFFFB0]  }
0x2e: {  	v17 =	vld [tilespmem:s17+$0xFFFFFFC0];
	v14 =	vmul.f32 s18, v9;
	v12 =	vmul.f32 s18, v10  }
0x2f: {  	s20 =	scvt.s32.f32 s19;
	v15 =	vld [tilespmem:s17+$0xFFFFFFD0];
	v13 =	vmul.f32 s18, v11;
	v11 =	vmul.f32 s18, v16  }
0x30: {  	v16 =	vld [tilespmem:s17+$0xFFFFFFE0];
	v10 =	vmul.f32 s18, v18;
	v9 =	vmul.f32 s18, v21  }
0x31: {  	p0 =	por p1, p1;
	s19 =	simm.s32 $0x2;
	v22 =	vmul.f32 s20, v22;
	v21 =	vmul.f32 s20, v23;
	v18 =	vld [tilespmem:s17+$0xFFFFFFF0]  }
.LBB2_3:
0x32: {  	p1 =	sne.s32 s19, $0xC6;
	v19 =	vmul.f32 s20, v19;
	v20 =	vmul.f32 s20, v20;
	v23 =	vld [tilespmem:s17+$0x60]  }
0x33: {  	v8 =	vadd.f32 v22, v8;
	v7 =	vadd.f32 v21, v7;
	v17 =	vmul.f32 s20, v17;
	v21 =	vld [tilespmem:s17+$0x70];
	s17 =	sadd.s32 $0x100, s17  }
0x34: {  	v22 =	vld [tilespmem:s17+$0x0];
	v6 =	vadd.f32 v19, v6;
	v5 =	vadd.f32 v20, v5;
	v15 =	vmul.f32 s20, v15  }
0x35: {  	v24 =	vld [tilespmem:s17+$0x10];
	v16 =	vmul.f32 s20, v16;
	v8 =	vadd.f32 v14, v8;
	v7 =	vadd.f32 v12, v7  }
0x36: {  	v25 =	vld [tilespmem:s17+$0x20];
	v12 =	vmul.f32 s20, v18;
	v6 =	vadd.f32 v13, v6;
	v5 =	vadd.f32 v11, v5  }
0x37: {  	v4 =	vadd.f32 v17, v4;
	v3 =	vadd.f32 v15, v3;
	v11 =	vld [tilespmem:s17+$0x30];
	v13 =	vmul.f32 s18, v23  }
0x38: {  	v2 =	vadd.f32 v16, v2;
	v18 =	vld [tilespmem:s17+$0x40];
	v1 =	vadd.f32 v12, v1;
	v12 =	vmul.f32 s18, v21  }
0x39: {  	v4 =	vadd.f32 v10, v4;
	v3 =	vadd.f32 v9, v3;
	v21 =	vld [tilespmem:s17+$0x50]  }
0x3a: {  	s20 =	sadd.s32 s19, s15;
	v2 =	vadd.f32 v13, v2;
	v23 =	vld [tilespmem:s17+$0xFFFFFF80];
	v1 =	vadd.f32 v12, v1  }
0x3b: {  	s18 =	sadd.s32 $0x1, s20;
	v26 =	vld [tilespmem:s17+$0xFFFFFF90]  }
0x3c: {  	s18 =	scvt.s32.f32 s18;
	v19 =	vld [tilespmem:s17+$0xFFFFFFA0]  }
.Ltmp0:
0x3d: {  	v20 =	vld [tilespmem:s17+$0xFFFFFFB0];
	(pc) =	sbr.rel @p1 .LBB2_3-.Ltmp0, $4  }
0x3e: {  	v14 =	vmul.f32 s18, v22;
	v12 =	vmul.f32 s18, v24;
	v17 =	vld [tilespmem:s17+$0xFFFFFFC0]  }
0x3f: {  	s20 =	scvt.s32.f32 s20;
	v13 =	vmul.f32 s18, v25;
	v11 =	vmul.f32 s18, v11;
	v15 =	vld [tilespmem:s17+$0xFFFFFFD0]  }
0x40: {  	v10 =	vmul.f32 s18, v18;
	v9 =	vmul.f32 s18, v21;
	v16 =	vld [tilespmem:s17+$0xFFFFFFE0]  }
0x41: {  	s19 =	sadd.s32 $0x2, s19;
	v22 =	vmul.f32 s20, v23;
	v21 =	vmul.f32 s20, v26;
	v18 =	vld [tilespmem:s17+$0xFFFFFFF0]  }
0x42: {  	_ = 	snop  }
0x43: {  	v19 =	vmul.f32 s20, v19;
	v8 =	vadd.f32 v22, v8  }
0x44: {  	v20 =	vmul.f32 s20, v20;
	v22 =	vld [tilespmem:s17+$0x60];
	v7 =	vadd.f32 v21, v7  }
0x45: {  	v17 =	vmul.f32 s20, v17;
	v21 =	vld [tilespmem:s17+$0x70];
	v6 =	vadd.f32 v19, v6;
	v8 =	vadd.f32 v14, v8  }
0x46: {  	v5 =	vadd.f32 v20, v5;
	v14 =	vmul.f32 s20, v15;
	v7 =	vadd.f32 v12, v7  }
0x47: {  	v12 =	vmul.f32 s20, v16;
	v4 =	vadd.f32 v17, v4;
	v6 =	vadd.f32 v13, v6;
	[tilespmem:$0xC800] =	vst v8  }
0x48: {  	v5 =	vadd.f32 v11, v5;
	v8 =	vmul.f32 s20, v18;
	v3 =	vadd.f32 v14, v3;
	[tilespmem:$0xC810] =	vst v7  }
0x49: {  	v2 =	vadd.f32 v12, v2;
	v4 =	vadd.f32 v10, v4;
	v7 =	vmul.f32 s18, v22;
	[tilespmem:$0xC820] =	vst v6  }
0x4a: {  	v6 =	vmul.f32 s18, v21;
	[tilespmem:$0xC830] =	vst v5;
	v1 =	vadd.f32 v8, v1;
	v3 =	vadd.f32 v9, v3  }
0x4b: {  	[tilespmem:$0xC840] =	vst v4;
	v2 =	vadd.f32 v7, v2  }
0x4c: {  	s16 =	smul.u32 $0xC8000, s16;
	v1 =	vadd.f32 v6, v1;
	[tilespmem:$0xC850] =	vst v3  }
0x4d: {  	[tilespmem:$0xC860] =	vst v2  }
0x4e: {  	s16 =	sadd.s32 s6, s16;
	[tilespmem:$0xC870] =	vst v1  }
0x4f: {  	[tilespmem:s2], [sflag:$0x1] =	stream.strided.gather [hbm4b:s16+s7], $0x6400, s8, s7, $0x38;
	[tilespmem:$0xC880] =	vst v63  }
0x50: {  	_ =	swait.ge [sflag:s11], $0x6400  }
0x51: {  	[sflag:s11] =	ssyncset.done $0x0  }
0x52: {  	[sflag:s11] =	ssyncadd.s32 $0xFFFF9C00  }
0x53: {  	v8 =	vld [tilespmem:$0xC800]  }
0x54: {  	v7 =	vld [tilespmem:$0xC810]  }
0x55: {  	v6 =	vld [tilespmem:$0xC820]  }
0x56: {  	v3 =	vld [tilespmem:$0xC830]  }
0x57: {  	v5 =	vld [tilespmem:$0xC840]  }
0x58: {  	v4 =	vld [tilespmem:$0xC850]  }
0x59: {  	v2 =	vld [tilespmem:$0xC860]  }
0x5a: {  	s16 =	simm.s32 $0x6480;
	v1 =	vld [tilespmem:$0xC870]  }
0x5b: {  	v9 =	vld [tilespmem:s16+$0x0]  }
0x5c: {  	v10 =	vld [tilespmem:s16+$0x10]  }
0x5d: {  	v11 =	vld [tilespmem:s16+$0x20]  }
0x5e: {  	v16 =	vld [tilespmem:s16+$0x30]  }
0x5f: {  	v19 =	vld [tilespmem:s16+$0x40]  }
0x60: {  	v21 =	vld [tilespmem:s16+$0x50]  }
0x61: {  	s30 =	sadd.s32 $0xFFFFFF38, s15;
	v22 =	vld [tilespmem:s16+$0xFFFFFF80]  }
0x62: {  	s31 =	sadd.s32 $0x191, s30;
	v23 =	vld [tilespmem:s16+$0xFFFFFF90]  }
0x63: {  	s17 =	scvt.s32.f32 s31;
	v18 =	vld [tilespmem:s16+$0xFFFFFFA0]  }
0x64: {  	v20 =	vld [tilespmem:s16+$0xFFFFFFB0]  }
0x65: {  	s18 =	sadd.s32 $0x190, s30;
	v17 =	vld [tilespmem:s16+$0xFFFFFFC0];
	v14 =	vmul.f32 s17, v9;
	v12 =	vmul.f32 s17, v10  }
0x66: {  	s19 =	scvt.s32.f32 s18;
	v15 =	vld [tilespmem:s16+$0xFFFFFFD0];
	v13 =	vmul.f32 s17, v11;
	v11 =	vmul.f32 s17, v16  }
0x67: {  	v16 =	vld [tilespmem:s16+$0xFFFFFFE0];
	v10 =	vmul.f32 s17, v19;
	v9 =	vmul.f32 s17, v21  }
0x68: {  	s18 =	simm.s32 $0xFFFFFF3A;
	v22 =	vmul.f32 s19, v22;
	v21 =	vmul.f32 s19, v23;
	v19 =	vld [tilespmem:s16+$0xFFFFFFF0]  }
.LBB2_5:
0x69: {  	p1 =	sne.s32 s18, $0xFFFFFFFE;
	v18 =	vmul.f32 s19, v18;
	v20 =	vmul.f32 s19, v20;
	v23 =	vld [tilespmem:s16+$0x60]  }
0x6a: {  	v8 =	vadd.f32 v22, v8;
	v7 =	vadd.f32 v21, v7;
	v17 =	vmul.f32 s19, v17;
	v21 =	vld [tilespmem:s16+$0x70];
	s16 =	sadd.s32 $0x100, s16  }
0x6b: {  	v22 =	vld [tilespmem:s16+$0x0];
	v6 =	vadd.f32 v18, v6;
	v3 =	vadd.f32 v20, v3;
	v15 =	vmul.f32 s19, v15  }
0x6c: {  	v24 =	vld [tilespmem:s16+$0x10];
	v16 =	vmul.f32 s19, v16;
	v8 =	vadd.f32 v14, v8;
	v7 =	vadd.f32 v12, v7  }
0x6d: {  	v25 =	vld [tilespmem:s16+$0x20];
	v12 =	vmul.f32 s19, v19;
	v6 =	vadd.f32 v13, v6;
	v3 =	vadd.f32 v11, v3  }
0x6e: {  	v5 =	vadd.f32 v17, v5;
	v4 =	vadd.f32 v15, v4;
	v11 =	vld [tilespmem:s16+$0x30];
	v13 =	vmul.f32 s17, v23  }
0x6f: {  	v2 =	vadd.f32 v16, v2;
	v19 =	vld [tilespmem:s16+$0x40];
	v1 =	vadd.f32 v12, v1;
	v12 =	vmul.f32 s17, v21  }
0x70: {  	v5 =	vadd.f32 v10, v5;
	v4 =	vadd.f32 v9, v4;
	v21 =	vld [tilespmem:s16+$0x50]  }
0x71: {  	s19 =	sadd.s32 s18, s15;
	v2 =	vadd.f32 v13, v2;
	v23 =	vld [tilespmem:s16+$0xFFFFFF80];
	v1 =	vadd.f32 v12, v1  }
0x72: {  	s17 =	sadd.s32 $0x191, s19;
	v26 =	vld [tilespmem:s16+$0xFFFFFF90]  }
0x73: {  	s17 =	scvt.s32.f32 s17;
	v18 =	vld [tilespmem:s16+$0xFFFFFFA0]  }
.Ltmp1:
0x74: {  	v20 =	vld [tilespmem:s16+$0xFFFFFFB0];
	(pc) =	sbr.rel @p1 .LBB2_5-.Ltmp1, $4  }
0x75: {  	s19 =	sadd.s32 $0x190, s19;
	v14 =	vmul.f32 s17, v22;
	v12 =	vmul.f32 s17, v24;
	v17 =	vld [tilespmem:s16+$0xFFFFFFC0]  }
0x76: {  	s19 =	scvt.s32.f32 s19;
	v13 =	vmul.f32 s17, v25;
	v11 =	vmul.f32 s17, v11;
	v15 =	vld [tilespmem:s16+$0xFFFFFFD0]  }
0x77: {  	v10 =	vmul.f32 s17, v19;
	v9 =	vmul.f32 s17, v21;
	v16 =	vld [tilespmem:s16+$0xFFFFFFE0]  }
0x78: {  	s18 =	sadd.s32 $0x2, s18;
	v22 =	vmul.f32 s19, v23;
	v21 =	vmul.f32 s19, v26;
	v19 =	vld [tilespmem:s16+$0xFFFFFFF0]  }
0x79: {  	_ = 	snop  }
0x7a: {  	v18 =	vmul.f32 s19, v18;
	v8 =	vadd.f32 v22, v8  }
0x7b: {  	v20 =	vmul.f32 s19, v20;
	v59 =	vld [tilespmem:s16+$0x60];
	v21 =	vadd.f32 v21, v7  }
0x7c: {  	v23 =	vld [tilespmem:s16+$0x70];
	v17 =	vmul.f32 s19, v17;
	v6 =	vadd.f32 v18, v6;
	v7 =	vadd.f32 v14, v8  }
0x7d: {  	v60 =	vadd.f32 v20, v3;
	v15 =	vmul.f32 s19, v15;
	v8 =	vadd.f32 v12, v21  }
0x7e: {  	v61 =	vmul.f32 s19, v16;
	v5 =	vadd.f32 v17, v5;
	v3 =	vadd.f32 v13, v6;
	[tilespmem:$0xC800] =	vst v7  }
0x7f: {  	v62 =	vmul.f32 s19, v19;
	v6 =	vadd.f32 v11, v60;
	v11 =	vadd.f32 v15, v4;
	[tilespmem:$0xC810] =	vst v8  }
0x80: {  	v63 =	vmul.f32 s17, v59;
	v2 =	vadd.f32 v61, v2;
	v4 =	vadd.f32 v10, v5;
	[tilespmem:$0xC820] =	vst v3  }
.Ltmp2:
0x81: {  	v10 =	vmul.f32 s17, v23;
	v1 =	vadd.f32 v62, v1;
	v5 =	vadd.f32 v9, v11;
	[tilespmem:$0xC830] =	vst v6;
	(pc) =	sbr.rel @p0 .LBB2_2-.Ltmp2, $4  }
0x82: {  	v2 =	vadd.f32 v63, v2;
	[tilespmem:$0xC840] =	vst v4  }
0x83: {  	v1 =	vadd.f32 v10, v1;
	[tilespmem:$0xC850] =	vst v5  }
0x84: {  	[tilespmem:$0xC860] =	vst v2  }
0x85: {  	s16 =	simm.s32 $0x1;
	p1 =	por $0x0, $0x0;
	[tilespmem:$0xC870] =	vst v1  }
0x86: {  	_ =	swait.ge [sflag:s10], $0x6400  }
0x87: {  	[sflag:s10] =	ssyncset.done $0x0  }
0x88: {  	s15 =	simm.s32 $0x80;
	[sflag:s10] =	ssyncadd.s32 $0xFFFF9C00  }
0x89: {  	v9 =	vld [tilespmem:s15+$0x0]  }
0x8a: {  	v10 =	vld [tilespmem:s15+$0x10]  }
0x8b: {  	v11 =	vld [tilespmem:s15+$0x20]  }
0x8c: {  	v16 =	vld [tilespmem:s15+$0x30]  }
0x8d: {  	v18 =	vld [tilespmem:s15+$0x40]  }
0x8e: {  	v21 =	vld [tilespmem:s15+$0x50]  }
0x8f: {  	v22 =	vld [tilespmem:s15+$0xFFFFFF80]  }
0x90: {  	s16 =	simm.s32 $0x321;
	v23 =	vld [tilespmem:s15+$0xFFFFFF90]  }
0x91: {  	s16 =	scvt.s32.f32 s16;
	v19 =	vld [tilespmem:s15+$0xFFFFFFA0]  }
0x92: {  	v20 =	vld [tilespmem:s15+$0xFFFFFFB0]  }
0x93: {  	s17 =	simm.s32 $0x320;
	v17 =	vld [tilespmem:s15+$0xFFFFFFC0];
	v14 =	vmul.f32 s16, v9;
	v12 =	vmul.f32 s16, v10  }
0x94: {  	s18 =	scvt.s32.f32 s17;
	v15 =	vld [tilespmem:s15+$0xFFFFFFD0];
	v13 =	vmul.f32 s16, v11;
	v11 =	vmul.f32 s16, v16  }
0x95: {  	v16 =	vld [tilespmem:s15+$0xFFFFFFE0];
	v10 =	vmul.f32 s16, v18;
	v9 =	vmul.f32 s16, v21  }
0x96: {  	s17 =	simm.s32 $0x322;
	v22 =	vmul.f32 s18, v22;
	v21 =	vmul.f32 s18, v23;
	v18 =	vld [tilespmem:s15+$0xFFFFFFF0]  }
.LBB2_8:
0x97: {  	p0 =	sne.s32 s17, $0x3E6;
	v19 =	vmul.f32 s18, v19;
	v20 =	vmul.f32 s18, v20;
	v23 =	vld [tilespmem:s15+$0x60]  }
0x98: {  	v7 =	vadd.f32 v22, v7;
	v8 =	vadd.f32 v21, v8;
	v17 =	vmul.f32 s18, v17;
	v21 =	vld [tilespmem:s15+$0x70];
	s15 =	sadd.s32 $0x100, s15  }
0x99: {  	v22 =	vld [tilespmem:s15+$0x0];
	v3 =	vadd.f32 v19, v3;
	v6 =	vadd.f32 v20, v6;
	v15 =	vmul.f32 s18, v15  }
0x9a: {  	v24 =	vld [tilespmem:s15+$0x10];
	v16 =	vmul.f32 s18, v16;
	v7 =	vadd.f32 v14, v7;
	v8 =	vadd.f32 v12, v8  }
0x9b: {  	v25 =	vld [tilespmem:s15+$0x20];
	v12 =	vmul.f32 s18, v18;
	v3 =	vadd.f32 v13, v3;
	v6 =	vadd.f32 v11, v6  }
0x9c: {  	v4 =	vadd.f32 v17, v4;
	v5 =	vadd.f32 v15, v5;
	v11 =	vld [tilespmem:s15+$0x30];
	v13 =	vmul.f32 s16, v23  }
0x9d: {  	v2 =	vadd.f32 v16, v2;
	v18 =	vld [tilespmem:s15+$0x40];
	v1 =	vadd.f32 v12, v1;
	v12 =	vmul.f32 s16, v21  }
0x9e: {  	v4 =	vadd.f32 v10, v4;
	v5 =	vadd.f32 v9, v5;
	v21 =	vld [tilespmem:s15+$0x50]  }
0x9f: {  	v2 =	vadd.f32 v13, v2;
	v23 =	vld [tilespmem:s15+$0xFFFFFF80];
	v1 =	vadd.f32 v12, v1  }
0xa0: {  	s16 =	sadd.s32 $0x1, s17;
	v26 =	vld [tilespmem:s15+$0xFFFFFF90]  }
0xa1: {  	s16 =	scvt.s32.f32 s16;
	v19 =	vld [tilespmem:s15+$0xFFFFFFA0]  }
.Ltmp3:
0xa2: {  	v20 =	vld [tilespmem:s15+$0xFFFFFFB0];
	(pc) =	sbr.rel @p0 .LBB2_8-.Ltmp3, $4  }
0xa3: {  	v14 =	vmul.f32 s16, v22;
	v12 =	vmul.f32 s16, v24;
	v17 =	vld [tilespmem:s15+$0xFFFFFFC0]  }
0xa4: {  	s18 =	scvt.s32.f32 s17;
	v13 =	vmul.f32 s16, v25;
	v11 =	vmul.f32 s16, v11;
	v15 =	vld [tilespmem:s15+$0xFFFFFFD0]  }
0xa5: {  	v10 =	vmul.f32 s16, v18;
	v9 =	vmul.f32 s16, v21;
	v16 =	vld [tilespmem:s15+$0xFFFFFFE0]  }
0xa6: {  	s17 =	sadd.s32 $0x2, s17;
	v22 =	vmul.f32 s18, v23;
	v21 =	vmul.f32 s18, v26;
	v18 =	vld [tilespmem:s15+$0xFFFFFFF0]  }
0xa7: {  	_ = 	snop  }
0xa8: {  	v19 =	vmul.f32 s18, v19;
	v7 =	vadd.f32 v22, v7  }
0xa9: {  	v20 =	vmul.f32 s18, v20;
	v58 =	vld [tilespmem:s15+$0x60];
	v8 =	vadd.f32 v21, v8  }
0xaa: {  	v59 =	vld [tilespmem:s15+$0x70];
	v17 =	vmul.f32 s18, v17;
	v3 =	vadd.f32 v19, v3;
	v7 =	vadd.f32 v14, v7  }
0xab: {  	v6 =	vadd.f32 v20, v6;
	v60 =	vmul.f32 s18, v15;
	v8 =	vadd.f32 v12, v8  }
0xac: {  	v61 =	vmul.f32 s18, v16;
	v4 =	vadd.f32 v17, v4;
	v3 =	vadd.f32 v13, v3;
	[tilespmem:$0xC800] =	vst v7  }
0xad: {  	v62 =	vmul.f32 s18, v18;
	v6 =	vadd.f32 v11, v6;
	v5 =	vadd.f32 v60, v5;
	[tilespmem:$0xC810] =	vst v8  }
0xae: {  	v63 =	vmul.f32 s16, v58;
	v2 =	vadd.f32 v61, v2;
	v4 =	vadd.f32 v10, v4;
	[tilespmem:$0xC820] =	vst v3  }
0xaf: {  	v1 =	vadd.f32 v62, v1;
	v3 =	vmul.f32 s16, v59;
	v5 =	vadd.f32 v9, v5;
	[tilespmem:$0xC830] =	vst v6  }
0xb0: {  	v2 =	vadd.f32 v63, v2;
	[tilespmem:$0xC840] =	vst v4  }
0xb1: {  	s14 =	sadd.s32 $0x1, s14;
	v1 =	vadd.f32 v3, v1;
	[tilespmem:$0xC850] =	vst v5  }
0xb2: {  	p0 =	sne.s32 s14, s5;
	[tilespmem:$0xC860] =	vst v2  }
.Ltmp4:
0xb3: {  	[tilespmem:$0xC870] =	vst v1;
	(pc) =	sbr.rel @p0 .LBB2_1-.Ltmp4, $4  }
0xb4: {  	[hbm4b:s4+s2] =	stream.linear.scatter [tilespmem:s12], [sflag:$0x3], $0x80, $0x38;
	[tilespmem:$0xC880] =	vst v63  }
0xb5: {  	_ =	swait.ge [sflag:s13], $0x80  }
0xb6: {  	[sflag:s13] =	ssyncset.done $0x0  }
0xb7: {  	[sflag:s13] =	ssyncadd.s32 $0xFFFFFF80  }
0xb8: {  	_ =	sfence.sel $0x180000  }
0xb9: {  	[bflag:$0x0] =	sbarrier.arrive $0xFFFF  }
0xba: {  	p0 =	sne.s32 s1, $0x0;
	_ =	strace $0x90000047  }
0xbb: {  	s0 =	sadd.s32 @!p0 $0x100000, s0;
	[bflag:$0x2] =	sbarrier.arrive $0xFFFF  }
0xbc: {  	[sflag:s0] =	ssyncadd.tile.s32 @!p0 $0x1;
	_ =	shalt  }
.Lfunc_end2:
_tile_overlayer_lowered:
.L_overlay_start_2:
0xbd: {  	(tag) =	ssettag $0x2  }
0xbe: {  	s0 =	rddreg [dreg:$0x0];
	s2 =	stileid.u32  }
0xbf: {  	s1 =	rddreg [dreg:$0x1];
	p0 =	sne.s32 s2, $0x0  }
0xc0: {  	s3 =	rddreg [dreg:$0x2];
	[bflag:$0x3] =	sbarrier.arrive $0xFFFF;
	s2 =	simm.s32 @!p0 $0x1C03  }
0xc1: {  	[timem:s3], [sflag:s2] =	dma.local @!p0 [hbm:s0], s1  }
0xc2: {  	s0 =	simm.s32 @!p0 $0x3  }
0xc3: {  	_ =	swait.ge @!p0 [sflag:s0], s1  }
0xc4: {  	s1 =	ssub.s32 @!p0 $0x0, s1;
	[sflag:s0] =	ssyncset.done @!p0 $0x0  }
0xc5: {  	[sflag:s0] =	ssyncadd.s32 @!p0 s1  }
0xc6: {  	[bflag:$0x3] =	sbarrier.arrive $0xFFFF  }
0xc7: {  	_ =	shalt  }

</sc_bundles>
